<compile_context>
chip_gen: v7x
topology: tpu7x:2x2x1
jax: 0.10.2.dev20260603
libtpu: 0.0.44.dev20260713+nightly
codegen_flags: <defaults>
</compile_context>

<pallas_src>
import functools

import jax
import jax.numpy as jnp
from jax import lax
from jax.experimental import pallas as pl
from jax.experimental.pallas import tpu as pltpu
from jax.experimental.pallas import tpu_sc as plsc

_N = 10000
_D = 128
_E = 320000

_NC = 2
_NS = 16
_NW = _NC * _NS

_CH = 128
_GRP = 16
_CPT = 80
_NCH = _E // _CH
_TAIL = _NCH - (_NW - 1) * _CPT

_R = 10240
_ZPT = _R // _NS


def _sc_aggregate_body(ei_hbm, h_hbm, out_hbm,
                       src_v, dst_v, rows_a, rows_b, agg_sh, sem_a, sem_b):
    cid = lax.axis_index("c")
    sid = lax.axis_index("s")
    wid = sid * _NC + cid
    tile_base = wid * _CPT
    last = wid == _NW - 1

    zero16 = jnp.zeros((16,), jnp.float32)

    with jax.named_scope("sc_zero"):
        def zrow(i, c):
            rows_a[i // (_D // 16), pl.ds((i % (_D // 16)) * 16, 16)] = zero16
            return c

        lax.fori_loop(0, _CH * (_D // 16), zrow, 0)
        for k in range(_ZPT // _CH):
            pltpu.sync_copy(rows_a, agg_sh.at[pl.ds(sid * _ZPT + k * _CH, _CH)])
        plsc.subcore_barrier()

    def wait_gather(buf, sem):
        pltpu.make_async_copy(h_hbm.at[src_v.at[0]], buf, sem).wait()

    def pipeline(npairs):
        pltpu.async_copy(h_hbm.at[src_v.at[0]], rows_a, sem_a)

        def steady(jj, c):
            j0 = 2 * jj
            pltpu.async_copy(h_hbm.at[src_v.at[j0 + 1]], rows_b, sem_b)
            wait_gather(rows_a, sem_a)
            pltpu.sync_copy(rows_a, agg_sh.at[dst_v.at[j0]], add=True)

            @pl.when(jj < npairs - 1)
            def _():
                pltpu.async_copy(h_hbm.at[src_v.at[j0 + 2]], rows_a, sem_a)

            wait_gather(rows_b, sem_b)
            pltpu.sync_copy(rows_b, agg_sh.at[dst_v.at[j0 + 1]], add=True)
            return c

        lax.fori_loop(0, npairs, steady, 0)

    def group(g, carry):
        base = tile_base + g * _GRP
        pltpu.sync_copy(ei_hbm.at[0, pl.ds(base, _GRP)], src_v)
        pltpu.sync_copy(ei_hbm.at[1, pl.ds(base, _GRP)], dst_v)
        pipeline(_GRP // 2)
        return carry

    with jax.named_scope("sc_agg"):
        lax.fori_loop(0, jnp.where(last, _TAIL // _GRP, _CPT // _GRP),
                      group, 0)

        @pl.when(last)
        def _():
            base = tile_base + (_TAIL // _GRP) * _GRP
            t = _TAIL % _GRP
            pltpu.sync_copy(ei_hbm.at[0, pl.ds(base, t)],
                            src_v.at[pl.ds(0, t)])
            pltpu.sync_copy(ei_hbm.at[1, pl.ds(base, t)],
                            dst_v.at[pl.ds(0, t)])
            pipeline(t // 2)

        plsc.subcore_barrier()

    with jax.named_scope("sc_out"):
        pltpu.sync_copy(agg_sh.at[pl.ds(sid * _ZPT, _ZPT)],
                        out_hbm.at[pl.ds(cid * _R + sid * _ZPT, _ZPT)])


def _sc_aggregate(ei3, h):
    mesh = plsc.VectorSubcoreMesh(core_axis_name="c", subcore_axis_name="s")
    kern = pl.kernel(
        _sc_aggregate_body,
        mesh=mesh,
        out_type=jax.ShapeDtypeStruct((_NC * _R, _D), jnp.float32),
        scratch_types=[
            pltpu.VMEM((_GRP, _CH), jnp.int32),
            pltpu.VMEM((_GRP, _CH), jnp.int32),
            pltpu.VMEM((_CH, _D), jnp.float32),
            pltpu.VMEM((_CH, _D), jnp.float32),
            pltpu.VMEM_SHARED((_R, _D), jnp.float32),
            pltpu.SemaphoreType.DMA,
            pltpu.SemaphoreType.DMA,
        ],
    )
    return kern(ei3, h)


def _tc_dense_body(agg0_ref, agg1_ref, h_ref, wc_ref, wih_ref, whh_ref,
                   bc_ref, bih_ref, bhh_ref, gamma_ref, beta_ref, out_ref):
    f32 = jnp.float32
    agg = agg0_ref[:] + agg1_ref[:]
    h = h_ref[:]
    hp = jnp.dot(agg, wc_ref[:], preferred_element_type=f32) + bc_ref[:]
    hp = jnp.where(hp > 0, hp, jnp.exp(jnp.minimum(hp, 0.0)) - 1.0)
    gi = jnp.dot(hp, wih_ref[:], preferred_element_type=f32) + bih_ref[:]
    gh = jnp.dot(h, whh_ref[:], preferred_element_type=f32) + bhh_ref[:]
    r = jax.nn.sigmoid(gi[:, :_D] + gh[:, :_D])
    z = jax.nn.sigmoid(gi[:, _D:2 * _D] + gh[:, _D:2 * _D])
    n = jnp.tanh(gi[:, 2 * _D:] + r * gh[:, 2 * _D:])
    h_new = jnp.maximum((1.0 - z) * n + z * h, 0.0)
    mu = jnp.mean(h_new, axis=1, keepdims=True)
    c = h_new - mu
    var = jnp.mean(c * c, axis=1, keepdims=True)
    out_ref[:] = gamma_ref[:] * c * lax.rsqrt(var + 1e-5) + beta_ref[:]


def _tc_dense(agg0, agg1, h, wc_t, wih_t, whh_t, bc, bih, bhh, gamma, beta):
    blk = 1000
    grid = _N // blk
    row_spec = pl.BlockSpec((blk, _D), lambda i: (i, 0))
    full = lambda shape: pl.BlockSpec(shape, lambda i: (0, 0))
    return pl.pallas_call(
        _tc_dense_body,
        grid=(grid,),
        in_specs=[
            row_spec, row_spec, row_spec,
            full((_D, _D)), full((_D, 3 * _D)), full((_D, 3 * _D)),
            full((1, _D)), full((1, 3 * _D)), full((1, 3 * _D)),
            full((1, _D)), full((1, _D)),
        ],
        out_specs=row_spec,
        out_shape=jax.ShapeDtypeStruct((_N, _D), jnp.float32),
    )(agg0, agg1, h, wc_t, wih_t, whh_t, bc, bih, bhh, gamma, beta)


def kernel(h, edge_index, W_conv, b_conv, W_ih, W_hh, b_ih, b_hh, gamma, beta):
    ei3 = edge_index.reshape(2, _NCH, _CH)
    parts = _sc_aggregate(ei3, h)
    agg0 = parts[:_N]
    agg1 = parts[_R:_R + _N]

    return _tc_dense(
        agg0, agg1, h,
        W_conv.T, W_ih.T, W_hh.T,
        b_conv.reshape(1, _D), b_ih.reshape(1, 3 * _D),
        b_hh.reshape(1, 3 * _D),
        gamma.reshape(1, _D), beta.reshape(1, _D),
    )

# --- scband reference (transcript-rebuilt; emitter-appended) ---
"""Pipeline reference for scband-conv-block-72164040507949 (READ-ONLY COPY).

The authoritative reference and input builder live on the scoring server;
editing this copy changes nothing except your own understanding.
"""

import jax, jax.numpy as jnp
import numpy as np

N = 10000
E = 320000
D = 128


def setup_inputs(seed: int = 0) -> dict:
    key = jax.random.key(seed)
    ks = jax.random.split(key, 12)
    h = jax.random.normal(ks[0], (N, D), dtype=jnp.float32)
    edge_index = jax.random.randint(ks[1], (2, E), 0, N, dtype=jnp.int32)
    s = 1.0 / np.sqrt(D)
    W_conv = jax.random.uniform(ks[2], (D, D), jnp.float32, -s, s)
    b_conv = jnp.zeros((D,), jnp.float32)
    W_ih = jax.random.uniform(ks[3], (3 * D, D), jnp.float32, -s, s)
    W_hh = jax.random.uniform(ks[4], (3 * D, D), jnp.float32, -s, s)
    b_ih = jax.random.uniform(ks[5], (3 * D,), jnp.float32, -s, s)
    b_hh = jax.random.uniform(ks[6], (3 * D,), jnp.float32, -s, s)
    gamma = jnp.ones((D,), jnp.float32)
    beta = jnp.zeros((D,), jnp.float32)
    return {"h": h, "edge_index": edge_index, "W_conv": W_conv, "b_conv": b_conv,
            "W_ih": W_ih, "W_hh": W_hh, "b_ih": b_ih, "b_hh": b_hh,
            "gamma": gamma, "beta": beta}


def _forward(h, W_conv, b_conv, W_ih, W_hh, b_ih, b_hh, gamma, beta, edge_index):
    src = edge_index[0]
    dst = edge_index[1]
    # conv: gather from src, linear transform, scatter-add to dst (GraphConv-style)
    msg = jnp.take(h, src, axis=0) @ W_conv.T
    h_prime = jax.ops.segment_sum(msg, dst, num_segments=N) + b_conv
    # aggregate with GRU (eval mode: dropout is identity)
    hp = jax.nn.elu(h_prime)
    # gru_input_size == hidden == input_size (aggregation_mode='single'), so x_g_input = hp
    gi = hp @ W_ih.T + b_ih
    gh = h @ W_hh.T + b_hh
    i_r, i_z, i_n = jnp.split(gi, 3, axis=-1)
    h_r, h_z, h_n = jnp.split(gh, 3, axis=-1)
    r = jax.nn.sigmoid(i_r + h_r)
    z = jax.nn.sigmoid(i_z + h_z)
    n = jnp.tanh(i_n + r * (h_n))
    h_new = (1.0 - z) * n + z * h
    # activation = relu
    h_new = jax.nn.relu(h_new)
    # layer norm
    mu = jnp.mean(h_new, axis=-1, keepdims=True)
    var = jnp.var(h_new, axis=-1, keepdims=True)
    out = gamma * (h_new - mu) / jnp.sqrt(var + 1e-5) + beta
    return out


def reference(h, edge_index, W_conv, b_conv, W_ih, W_hh, b_ih, b_hh, gamma, beta):
    return _forward(h, W_conv, b_conv, W_ih, W_hh, b_ih, b_hh, gamma, beta, edge_index)

if __name__ == "__main__":
    import jax
    _d = setup_inputs()
    print(jax.jit(kernel)(*tuple(_d.values())))

</pallas_src>

<mosaic_0001>
#map = affine_map<(d0, d1) -> (0, 0, 0)>
#map1 = affine_map<(d0, d1) -> (0, 0)>
module attributes {stable_mosaic.version = 14 : i64} {
  func.func @_sc_aggregate_body(%arg0: i32, %arg1: i32, %arg2: memref<2x2500x128xi32, #tpu.memory_space<hbm>>, %arg3: memref<10000x128xf32, #tpu.memory_space<hbm>>, %arg4: memref<20480x128xf32, #tpu.memory_space<hbm>>, %arg5: memref<16x128xi32, #tpu.memory_space<vmem>>, %arg6: memref<16x128xi32, #tpu.memory_space<vmem>>, %arg7: memref<128x128xf32, #tpu.memory_space<vmem>>, %arg8: memref<128x128xf32, #tpu.memory_space<vmem>>, %arg9: memref<10240x128xf32, #tpu.memory_space<vmem_shared>>, %arg10: memref<!tpu.dma_semaphore, #tpu.memory_space<semaphore_mem>>, %arg11: memref<!tpu.dma_semaphore, #tpu.memory_space<semaphore_mem>>) attributes {dimension_semantics = [#tpu.dimension_semantics<core_parallel>, #tpu.dimension_semantics<subcore_parallel>], iteration_bounds = array<i64: 2, 16>, scalar_prefetch = 0 : i64, scratch_operands = 7 : i64, tpu.core_type = #tpu.core_type<sc_vector_subcore>, window_params = [{transform_indices = #map}, {transform_indices = #map1}, {transform_indices = #map1}]} {
    %mul3A = arith.constant 2 : i32
    %mul3A_0 = arith.muli %arg1, %mul3A : i32
    %add3A = arith.addi %mul3A_0, %arg0 : i32
    %mul3A_1 = arith.constant 80 : i32
    %mul3A_2 = arith.muli %add3A, %mul3A_1 : i32
    %eq3A = arith.constant 31 : i32
    %eq3A_3 = arith.cmpi eq, %add3A, %eq3A : i32
    %broadcast_in_dim3A = arith.constant 0.000000e+00 : f32
    %broadcast_in_dim3A_4 = vector.broadcast %broadcast_in_dim3A : f32 to vector<16xf32>
    "tpu.trace_start"() <{level = 10 : i32, message = "sc_zero"}> : () -> ()
    %scan3A = arith.constant 0 : i32
    %scan3A_5 = arith.constant 0 : i32
    %scan3A_6 = arith.constant 1024 : i32
    %scan3A_7 = arith.addi %scan3A_5, %scan3A_6 : i32
    %scan3A_8 = arith.constant 1 : i32
    scf.for %scan3A_49 = %scan3A_5 to %scan3A_7 step %scan3A_8  : i32 {
      %jit3A_50 = arith.constant 8 : i32
      %div3A = arith.divsi %scan3A_49, %jit3A_50 : i32
      %sign3A = arith.constant 0 : i32
      %sign3A_51 = arith.cmpi sgt, %scan3A_49, %sign3A : i32
      %sign3A_52 = arith.extui %sign3A_51 : i1 to i32
      %sign3A_53 = arith.constant 0 : i32
      %sign3A_54 = arith.cmpi slt, %scan3A_49, %sign3A_53 : i32
      %sign3A_55 = arith.extui %sign3A_54 : i1 to i32
      %sign3A_56 = arith.subi %sign3A_52, %sign3A_55 : i32
      %sign3A_57 = arith.constant 0 : i32
      %sign3A_58 = arith.cmpi sgt, %jit3A_50, %sign3A_57 : i32
      %sign3A_59 = arith.extui %sign3A_58 : i1 to i32
      %sign3A_60 = arith.constant 0 : i32
      %sign3A_61 = arith.cmpi slt, %jit3A_50, %sign3A_60 : i32
      %sign3A_62 = arith.extui %sign3A_61 : i1 to i32
      %sign3A_63 = arith.subi %sign3A_59, %sign3A_62 : i32
      %ne3A = arith.cmpi ne, %sign3A_56, %sign3A_63 : i32
      %rem3A = arith.remsi %scan3A_49, %jit3A_50 : i32
      %ne3A_64 = arith.constant 0 : i32
      %ne3A_65 = arith.cmpi ne, %rem3A, %ne3A_64 : i32
      %and3A = arith.andi %ne3A, %ne3A_65 : i1
      %sub3A = arith.constant 1 : i32
      %sub3A_66 = arith.subi %div3A, %sub3A : i32
      %select_n3A_67 = arith.select %and3A, %sub3A_66, %div3A : i32
      %jit3A_68 = arith.constant 8 : i32
      %eq3A_69 = arith.constant 0 : i32
      %eq3A_70 = arith.cmpi eq, %jit3A_68, %eq3A_69 : i32
      %jit3A_71 = arith.constant 1 : i32
      %select_n3A_72 = arith.select %eq3A_70, %jit3A_71, %jit3A_68 : i32
      %rem3A_73 = arith.remsi %scan3A_49, %select_n3A_72 : i32
      %ne3A_74 = arith.constant 0 : i32
      %ne3A_75 = arith.cmpi ne, %rem3A_73, %ne3A_74 : i32
      %lt3A = arith.constant 0 : i32
      %lt3A_76 = arith.cmpi slt, %rem3A_73, %lt3A : i32
      %lt3A_77 = arith.constant 0 : i32
      %lt3A_78 = arith.cmpi slt, %select_n3A_72, %lt3A_77 : i32
      %ne3A_79 = arith.xori %lt3A_76, %lt3A_78 : i1
      %and3A_80 = arith.andi %ne3A_79, %ne3A_75 : i1
      %add3A_81 = arith.addi %rem3A_73, %select_n3A_72 : i32
      %select_n3A_82 = arith.select %and3A_80, %add3A_81, %rem3A_73 : i32
      %mul3A_83 = arith.constant 16 : i32
      %mul3A_84 = arith.muli %select_n3A_82, %mul3A_83 : i32
      %swap3A = arith.index_cast %select_n3A_67 : i32 to index
      %swap3A_85 = arith.index_cast %mul3A_84 : i32 to index
      %swap3A_86 = tpu.vector_load %arg7[%swap3A, %swap3A_85] {strides = array<i32>} : memref<128x128xf32, #tpu.memory_space<vmem>>, vector<1x16xf32>,
      %swap3A_87 = vector.shape_cast %swap3A_86 : vector<1x16xf32> to vector<16xf32>
      %swap3A_88 = vector.shape_cast %broadcast_in_dim3A_4 : vector<16xf32> to vector<1x16xf32>
      tpu.vector_store %arg7[%swap3A, %swap3A_85], %swap3A_88 {strides = array<i32>} : memref<128x128xf32, #tpu.memory_space<vmem>>, vector<1x16xf32>,
    }
    %scan3A_9 = arith.constant 1024 : i32
    %mul3A_10 = arith.constant 640 : i32
    %mul3A_11 = arith.muli %arg1, %mul3A_10 : i32
    %add3A_12 = arith.constant 0 : i32
    %add3A_13 = arith.addi %mul3A_11, %add3A_12 : i32
    "tpu.region"() ({
      %run_scoped3A = tpu.sem_alloc : memref<!tpu.dma_semaphore, #tpu.memory_space<semaphore_mem>>
      %dma_start3A = arith.constant 0 : i32
      %dma_start3A_49 = tpu.memref_slice %arg9[%add3A_13, %dma_start3A] : memref<10240x128xf32, #tpu.memory_space<vmem_shared>> -> memref<128x128xf32, #tpu.memory_space<vmem_shared>>
      %dma_start3A_50 = arith.constant 0 : i32
      %dma_start3A_51 = tpu.memref_slice %arg9[%add3A_13, %dma_start3A_50] : memref<10240x128xf32, #tpu.memory_space<vmem_shared>> -> memref<128x128xf32, #tpu.memory_space<vmem_shared>>
      tpu.enqueue_dma source(%arg7 : memref<128x128xf32, #tpu.memory_space<vmem>>) target(%dma_start3A_51 : memref<128x128xf32, #tpu.memory_space<vmem_shared>>) target_semaphore(%run_scoped3A : memref<!tpu.dma_semaphore, #tpu.memory_space<semaphore_mem>>)
      %dma_wait3A = arith.constant 0 : i32
      %dma_wait3A_52 = tpu.memref_slice %arg9[%add3A_13, %dma_wait3A] : memref<10240x128xf32, #tpu.memory_space<vmem_shared>> -> memref<128x128xf32, #tpu.memory_space<vmem_shared>>
      %dma_wait3A_53 = arith.constant 0 : i32
      %dma_wait3A_54 = tpu.memref_slice %arg9[%add3A_13, %dma_wait3A_53] : memref<10240x128xf32, #tpu.memory_space<vmem_shared>> -> memref<128x128xf32, #tpu.memory_space<vmem_shared>>
      tpu.wait_dma2 semaphore(%run_scoped3A : memref<!tpu.dma_semaphore, #tpu.memory_space<semaphore_mem>>) src(%arg7 : memref<128x128xf32, #tpu.memory_space<vmem>>) dst(%dma_wait3A_54 : memref<128x128xf32, #tpu.memory_space<vmem_shared>>)
      tpu.yield
    }) : () -> ()
    %mul3A_14 = arith.constant 640 : i32
    %mul3A_15 = arith.muli %arg1, %mul3A_14 : i32
    %add3A_16 = arith.constant 128 : i32
    %add3A_17 = arith.addi %mul3A_15, %add3A_16 : i32
    "tpu.region"() ({
      %run_scoped3A = tpu.sem_alloc : memref<!tpu.dma_semaphore, #tpu.memory_space<semaphore_mem>>
      %dma_start3A = arith.constant 0 : i32
      %dma_start3A_49 = tpu.memref_slice %arg9[%add3A_17, %dma_start3A] : memref<10240x128xf32, #tpu.memory_space<vmem_shared>> -> memref<128x128xf32, #tpu.memory_space<vmem_shared>>
      %dma_start3A_50 = arith.constant 0 : i32
      %dma_start3A_51 = tpu.memref_slice %arg9[%add3A_17, %dma_start3A_50] : memref<10240x128xf32, #tpu.memory_space<vmem_shared>> -> memref<128x128xf32, #tpu.memory_space<vmem_shared>>
      tpu.enqueue_dma source(%arg7 : memref<128x128xf32, #tpu.memory_space<vmem>>) target(%dma_start3A_51 : memref<128x128xf32, #tpu.memory_space<vmem_shared>>) target_semaphore(%run_scoped3A : memref<!tpu.dma_semaphore, #tpu.memory_space<semaphore_mem>>)
      %dma_wait3A = arith.constant 0 : i32
      %dma_wait3A_52 = tpu.memref_slice %arg9[%add3A_17, %dma_wait3A] : memref<10240x128xf32, #tpu.memory_space<vmem_shared>> -> memref<128x128xf32, #tpu.memory_space<vmem_shared>>
      %dma_wait3A_53 = arith.constant 0 : i32
      %dma_wait3A_54 = tpu.memref_slice %arg9[%add3A_17, %dma_wait3A_53] : memref<10240x128xf32, #tpu.memory_space<vmem_shared>> -> memref<128x128xf32, #tpu.memory_space<vmem_shared>>
      tpu.wait_dma2 semaphore(%run_scoped3A : memref<!tpu.dma_semaphore, #tpu.memory_space<semaphore_mem>>) src(%arg7 : memref<128x128xf32, #tpu.memory_space<vmem>>) dst(%dma_wait3A_54 : memref<128x128xf32, #tpu.memory_space<vmem_shared>>)
      tpu.yield
    }) : () -> ()
    %mul3A_18 = arith.constant 640 : i32
    %mul3A_19 = arith.muli %arg1, %mul3A_18 : i32
    %add3A_20 = arith.constant 256 : i32
    %add3A_21 = arith.addi %mul3A_19, %add3A_20 : i32
    "tpu.region"() ({
      %run_scoped3A = tpu.sem_alloc : memref<!tpu.dma_semaphore, #tpu.memory_space<semaphore_mem>>
      %dma_start3A = arith.constant 0 : i32
      %dma_start3A_49 = tpu.memref_slice %arg9[%add3A_21, %dma_start3A] : memref<10240x128xf32, #tpu.memory_space<vmem_shared>> -> memref<128x128xf32, #tpu.memory_space<vmem_shared>>
      %dma_start3A_50 = arith.constant 0 : i32
      %dma_start3A_51 = tpu.memref_slice %arg9[%add3A_21, %dma_start3A_50] : memref<10240x128xf32, #tpu.memory_space<vmem_shared>> -> memref<128x128xf32, #tpu.memory_space<vmem_shared>>
      tpu.enqueue_dma source(%arg7 : memref<128x128xf32, #tpu.memory_space<vmem>>) target(%dma_start3A_51 : memref<128x128xf32, #tpu.memory_space<vmem_shared>>) target_semaphore(%run_scoped3A : memref<!tpu.dma_semaphore, #tpu.memory_space<semaphore_mem>>)
      %dma_wait3A = arith.constant 0 : i32
      %dma_wait3A_52 = tpu.memref_slice %arg9[%add3A_21, %dma_wait3A] : memref<10240x128xf32, #tpu.memory_space<vmem_shared>> -> memref<128x128xf32, #tpu.memory_space<vmem_shared>>
      %dma_wait3A_53 = arith.constant 0 : i32
      %dma_wait3A_54 = tpu.memref_slice %arg9[%add3A_21, %dma_wait3A_53] : memref<10240x128xf32, #tpu.memory_space<vmem_shared>> -> memref<128x128xf32, #tpu.memory_space<vmem_shared>>
      tpu.wait_dma2 semaphore(%run_scoped3A : memref<!tpu.dma_semaphore, #tpu.memory_space<semaphore_mem>>) src(%arg7 : memref<128x128xf32, #tpu.memory_space<vmem>>) dst(%dma_wait3A_54 : memref<128x128xf32, #tpu.memory_space<vmem_shared>>)
      tpu.yield
    }) : () -> ()
    %mul3A_22 = arith.constant 640 : i32
    %mul3A_23 = arith.muli %arg1, %mul3A_22 : i32
    %add3A_24 = arith.constant 384 : i32
    %add3A_25 = arith.addi %mul3A_23, %add3A_24 : i32
    "tpu.region"() ({
      %run_scoped3A = tpu.sem_alloc : memref<!tpu.dma_semaphore, #tpu.memory_space<semaphore_mem>>
      %dma_start3A = arith.constant 0 : i32
      %dma_start3A_49 = tpu.memref_slice %arg9[%add3A_25, %dma_start3A] : memref<10240x128xf32, #tpu.memory_space<vmem_shared>> -> memref<128x128xf32, #tpu.memory_space<vmem_shared>>
      %dma_start3A_50 = arith.constant 0 : i32
      %dma_start3A_51 = tpu.memref_slice %arg9[%add3A_25, %dma_start3A_50] : memref<10240x128xf32, #tpu.memory_space<vmem_shared>> -> memref<128x128xf32, #tpu.memory_space<vmem_shared>>
      tpu.enqueue_dma source(%arg7 : memref<128x128xf32, #tpu.memory_space<vmem>>) target(%dma_start3A_51 : memref<128x128xf32, #tpu.memory_space<vmem_shared>>) target_semaphore(%run_scoped3A : memref<!tpu.dma_semaphore, #tpu.memory_space<semaphore_mem>>)
      %dma_wait3A = arith.constant 0 : i32
      %dma_wait3A_52 = tpu.memref_slice %arg9[%add3A_25, %dma_wait3A] : memref<10240x128xf32, #tpu.memory_space<vmem_shared>> -> memref<128x128xf32, #tpu.memory_space<vmem_shared>>
      %dma_wait3A_53 = arith.constant 0 : i32
      %dma_wait3A_54 = tpu.memref_slice %arg9[%add3A_25, %dma_wait3A_53] : memref<10240x128xf32, #tpu.memory_space<vmem_shared>> -> memref<128x128xf32, #tpu.memory_space<vmem_shared>>
      tpu.wait_dma2 semaphore(%run_scoped3A : memref<!tpu.dma_semaphore, #tpu.memory_space<semaphore_mem>>) src(%arg7 : memref<128x128xf32, #tpu.memory_space<vmem>>) dst(%dma_wait3A_54 : memref<128x128xf32, #tpu.memory_space<vmem_shared>>)
      tpu.yield
    }) : () -> ()
    %mul3A_26 = arith.constant 640 : i32
    %mul3A_27 = arith.muli %arg1, %mul3A_26 : i32
    %add3A_28 = arith.constant 512 : i32
    %add3A_29 = arith.addi %mul3A_27, %add3A_28 : i32
    "tpu.region"() ({
      %run_scoped3A = tpu.sem_alloc : memref<!tpu.dma_semaphore, #tpu.memory_space<semaphore_mem>>
      %dma_start3A = arith.constant 0 : i32
      %dma_start3A_49 = tpu.memref_slice %arg9[%add3A_29, %dma_start3A] : memref<10240x128xf32, #tpu.memory_space<vmem_shared>> -> memref<128x128xf32, #tpu.memory_space<vmem_shared>>
      %dma_start3A_50 = arith.constant 0 : i32
      %dma_start3A_51 = tpu.memref_slice %arg9[%add3A_29, %dma_start3A_50] : memref<10240x128xf32, #tpu.memory_space<vmem_shared>> -> memref<128x128xf32, #tpu.memory_space<vmem_shared>>
      tpu.enqueue_dma source(%arg7 : memref<128x128xf32, #tpu.memory_space<vmem>>) target(%dma_start3A_51 : memref<128x128xf32, #tpu.memory_space<vmem_shared>>) target_semaphore(%run_scoped3A : memref<!tpu.dma_semaphore, #tpu.memory_space<semaphore_mem>>)
      %dma_wait3A = arith.constant 0 : i32
      %dma_wait3A_52 = tpu.memref_slice %arg9[%add3A_29, %dma_wait3A] : memref<10240x128xf32, #tpu.memory_space<vmem_shared>> -> memref<128x128xf32, #tpu.memory_space<vmem_shared>>
      %dma_wait3A_53 = arith.constant 0 : i32
      %dma_wait3A_54 = tpu.memref_slice %arg9[%add3A_29, %dma_wait3A_53] : memref<10240x128xf32, #tpu.memory_space<vmem_shared>> -> memref<128x128xf32, #tpu.memory_space<vmem_shared>>
      tpu.wait_dma2 semaphore(%run_scoped3A : memref<!tpu.dma_semaphore, #tpu.memory_space<semaphore_mem>>) src(%arg7 : memref<128x128xf32, #tpu.memory_space<vmem>>) dst(%dma_wait3A_54 : memref<128x128xf32, #tpu.memory_space<vmem_shared>>)
      tpu.yield
    }) : () -> ()
    %barrier3A = arith.constant 0 : index
    tpu.barrier barrier_id(%barrier3A)
    %jit3A = arith.constant 1 : i32
    %jit3A_30 = arith.constant 5 : i32
    "tpu.trace_stop"() : () -> ()
    "tpu.trace_start"() <{level = 10 : i32, message = "sc_agg"}> : () -> ()
    %select_n3A = arith.select %eq3A_3, %jit3A, %jit3A_30 : i32
    %while3A = arith.constant 0 : i32
    %while3A_31 = arith.constant 0 : i32
    %while3A_32 = arith.subi %select_n3A, %while3A_31 : i32
    %while3A_33 = arith.addi %while3A_31, %while3A_32 : i32
    %while3A_34 = arith.constant 1 : i32
    %while3A_35 = arith.divsi %while3A_32, %while3A_34 : i32
    %while3A_36 = arith.muli %while3A_35, %while3A_34 : i32
    %while3A_37 = arith.addi %while3A_31, %while3A_36 : i32
    %while3A_38 = arith.constant 1 : i32
    scf.for %while3A_49 = %while3A_31 to %while3A_37 step %while3A_38  : i32 {
      %mul3A_50 = arith.constant 16 : i32
      %mul3A_51 = arith.muli %while3A_49, %mul3A_50 : i32
      %add3A_52 = arith.addi %mul3A_2, %mul3A_51 : i32
      %run_scoped3A = arith.constant 0 : i32
      "tpu.region"() ({
        %run_scoped3A_66 = tpu.sem_alloc : memref<!tpu.dma_semaphore, #tpu.memory_space<semaphore_mem>>
        %dma_start3A_67 = arith.constant 0 : i32
        %dma_start3A_68 = tpu.memref_slice %arg2[%run_scoped3A, %add3A_52, %dma_start3A_67] : memref<2x2500x128xi32, #tpu.memory_space<hbm>> -> memref<1x16x128xi32, #tpu.memory_space<hbm>>
        %dma_start3A_69 = tpu.memref_squeeze %dma_start3A_68 : memref<1x16x128xi32, #tpu.memory_space<hbm>> -> memref<16x128xi32, #tpu.memory_space<hbm>>
        %dma_start3A_70 = arith.constant 0 : i32
        %dma_start3A_71 = tpu.memref_slice %arg2[%run_scoped3A, %add3A_52, %dma_start3A_70] : memref<2x2500x128xi32, #tpu.memory_space<hbm>> -> memref<1x16x128xi32, #tpu.memory_space<hbm>>
        %dma_start3A_72 = tpu.memref_squeeze %dma_start3A_71 : memref<1x16x128xi32, #tpu.memory_space<hbm>> -> memref<16x128xi32, #tpu.memory_space<hbm>>
        tpu.enqueue_dma source(%dma_start3A_72 : memref<16x128xi32, #tpu.memory_space<hbm>>) target(%arg5 : memref<16x128xi32, #tpu.memory_space<vmem>>) target_semaphore(%run_scoped3A_66 : memref<!tpu.dma_semaphore, #tpu.memory_space<semaphore_mem>>)
        %dma_wait3A = arith.constant 0 : i32
        %dma_wait3A_73 = tpu.memref_slice %arg2[%run_scoped3A, %add3A_52, %dma_wait3A] : memref<2x2500x128xi32, #tpu.memory_space<hbm>> -> memref<1x16x128xi32, #tpu.memory_space<hbm>>
        %dma_wait3A_74 = tpu.memref_squeeze %dma_wait3A_73 : memref<1x16x128xi32, #tpu.memory_space<hbm>> -> memref<16x128xi32, #tpu.memory_space<hbm>>
        %dma_wait3A_75 = arith.constant 0 : i32
        %dma_wait3A_76 = tpu.memref_slice %arg2[%run_scoped3A, %add3A_52, %dma_wait3A_75] : memref<2x2500x128xi32, #tpu.memory_space<hbm>> -> memref<1x16x128xi32, #tpu.memory_space<hbm>>
        %dma_wait3A_77 = tpu.memref_squeeze %dma_wait3A_76 : memref<1x16x128xi32, #tpu.memory_space<hbm>> -> memref<16x128xi32, #tpu.memory_space<hbm>>
        tpu.wait_dma2 semaphore(%run_scoped3A_66 : memref<!tpu.dma_semaphore, #tpu.memory_space<semaphore_mem>>) src(%dma_wait3A_77 : memref<16x128xi32, #tpu.memory_space<hbm>>) dst(%arg5 : memref<16x128xi32, #tpu.memory_space<vmem>>)
        tpu.yield
      }) : () -> ()
      %run_scoped3A_53 = arith.constant 1 : i32
      "tpu.region"() ({
        %run_scoped3A_66 = tpu.sem_alloc : memref<!tpu.dma_semaphore, #tpu.memory_space<semaphore_mem>>
        %dma_start3A_67 = arith.constant 0 : i32
        %dma_start3A_68 = tpu.memref_slice %arg2[%run_scoped3A_53, %add3A_52, %dma_start3A_67] : memref<2x2500x128xi32, #tpu.memory_space<hbm>> -> memref<1x16x128xi32, #tpu.memory_space<hbm>>
        %dma_start3A_69 = tpu.memref_squeeze %dma_start3A_68 : memref<1x16x128xi32, #tpu.memory_space<hbm>> -> memref<16x128xi32, #tpu.memory_space<hbm>>
        %dma_start3A_70 = arith.constant 0 : i32
        %dma_start3A_71 = tpu.memref_slice %arg2[%run_scoped3A_53, %add3A_52, %dma_start3A_70] : memref<2x2500x128xi32, #tpu.memory_space<hbm>> -> memref<1x16x128xi32, #tpu.memory_space<hbm>>
        %dma_start3A_72 = tpu.memref_squeeze %dma_start3A_71 : memref<1x16x128xi32, #tpu.memory_space<hbm>> -> memref<16x128xi32, #tpu.memory_space<hbm>>
        tpu.enqueue_dma source(%dma_start3A_72 : memref<16x128xi32, #tpu.memory_space<hbm>>) target(%arg6 : memref<16x128xi32, #tpu.memory_space<vmem>>) target_semaphore(%run_scoped3A_66 : memref<!tpu.dma_semaphore, #tpu.memory_space<semaphore_mem>>)
        %dma_wait3A = arith.constant 0 : i32
        %dma_wait3A_73 = tpu.memref_slice %arg2[%run_scoped3A_53, %add3A_52, %dma_wait3A] : memref<2x2500x128xi32, #tpu.memory_space<hbm>> -> memref<1x16x128xi32, #tpu.memory_space<hbm>>
        %dma_wait3A_74 = tpu.memref_squeeze %dma_wait3A_73 : memref<1x16x128xi32, #tpu.memory_space<hbm>> -> memref<16x128xi32, #tpu.memory_space<hbm>>
        %dma_wait3A_75 = arith.constant 0 : i32
        %dma_wait3A_76 = tpu.memref_slice %arg2[%run_scoped3A_53, %add3A_52, %dma_wait3A_75] : memref<2x2500x128xi32, #tpu.memory_space<hbm>> -> memref<1x16x128xi32, #tpu.memory_space<hbm>>
        %dma_wait3A_77 = tpu.memref_squeeze %dma_wait3A_76 : memref<1x16x128xi32, #tpu.memory_space<hbm>> -> memref<16x128xi32, #tpu.memory_space<hbm>>
        tpu.wait_dma2 semaphore(%run_scoped3A_66 : memref<!tpu.dma_semaphore, #tpu.memory_space<semaphore_mem>>) src(%dma_wait3A_77 : memref<16x128xi32, #tpu.memory_space<hbm>>) dst(%arg6 : memref<16x128xi32, #tpu.memory_space<vmem>>)
        tpu.yield
      }) : () -> ()
      %dma_start3A = arith.constant 0 : i32
      %dma_start3A_54 = arith.constant 0 : i32
      %dma_start3A_55 = tpu.memref_slice %arg5[%dma_start3A, %dma_start3A_54] : memref<16x128xi32, #tpu.memory_space<vmem>> -> memref<1x128xi32, #tpu.memory_space<vmem>>
      %dma_start3A_56 = tpu.memref_squeeze %dma_start3A_55 : memref<1x128xi32, #tpu.memory_space<vmem>> -> memref<128xi32, #tpu.memory_space<vmem>>
      %dma_start3A_57 = arith.constant 0 : i32
      %dma_start3A_58 = arith.constant 0 : i32
      %dma_start3A_59 = tpu.memref_slice %arg3[%dma_start3A_57, %dma_start3A_58] : memref<10000x128xf32, #tpu.memory_space<hbm>> -> memref<10000x128xf32, #tpu.memory_space<hbm>>
      tpu.enqueue_indirect_dma source(%dma_start3A_59 : memref<10000x128xf32, #tpu.memory_space<hbm>>) target(%arg7 : memref<128x128xf32, #tpu.memory_space<vmem>>) offsets(%dma_start3A_56 : memref<128xi32, #tpu.memory_space<vmem>>) semaphore(%arg10 : memref<!tpu.dma_semaphore, #tpu.memory_space<semaphore_mem>>)
      %scan3A_60 = arith.constant 0 : i32
      %scan3A_61 = arith.constant 0 : i32
      %scan3A_62 = arith.constant 8 : i32
      %scan3A_63 = arith.addi %scan3A_61, %scan3A_62 : i32
      %scan3A_64 = arith.constant 1 : i32
      scf.for %scan3A_66 = %scan3A_61 to %scan3A_63 step %scan3A_64  : i32 {
        %mul3A_67 = arith.constant 2 : i32
        %mul3A_68 = arith.muli %mul3A_67, %scan3A_66 : i32
        %add3A_69 = arith.constant 1 : i32
        %add3A_70 = arith.addi %mul3A_68, %add3A_69 : i32
        %dma_start3A_71 = arith.constant 0 : i32
        %dma_start3A_72 = tpu.memref_slice %arg5[%add3A_70, %dma_start3A_71] : memref<16x128xi32, #tpu.memory_space<vmem>> -> memref<1x128xi32, #tpu.memory_space<vmem>>
        %dma_start3A_73 = tpu.memref_squeeze %dma_start3A_72 : memref<1x128xi32, #tpu.memory_space<vmem>> -> memref<128xi32, #tpu.memory_space<vmem>>
        %dma_start3A_74 = arith.constant 0 : i32
        %dma_start3A_75 = arith.constant 0 : i32
        %dma_start3A_76 = tpu.memref_slice %arg3[%dma_start3A_74, %dma_start3A_75] : memref<10000x128xf32, #tpu.memory_space<hbm>> -> memref<10000x128xf32, #tpu.memory_space<hbm>>
        tpu.enqueue_indirect_dma source(%dma_start3A_76 : memref<10000x128xf32, #tpu.memory_space<hbm>>) target(%arg8 : memref<128x128xf32, #tpu.memory_space<vmem>>) offsets(%dma_start3A_73 : memref<128xi32, #tpu.memory_space<vmem>>) semaphore(%arg11 : memref<!tpu.dma_semaphore, #tpu.memory_space<semaphore_mem>>)
        %dma_wait3A = arith.constant 0 : i32
        %dma_wait3A_77 = arith.constant 0 : i32
        %dma_wait3A_78 = tpu.memref_slice %arg5[%dma_wait3A, %dma_wait3A_77] : memref<16x128xi32, #tpu.memory_space<vmem>> -> memref<1x128xi32, #tpu.memory_space<vmem>>
        %dma_wait3A_79 = tpu.memref_squeeze %dma_wait3A_78 : memref<1x128xi32, #tpu.memory_space<vmem>> -> memref<128xi32, #tpu.memory_space<vmem>>
        %dma_wait3A_80 = arith.constant 0 : i32
        %dma_wait3A_81 = arith.constant 0 : i32
        %dma_wait3A_82 = tpu.memref_slice %arg3[%dma_wait3A_80, %dma_wait3A_81] : memref<10000x128xf32, #tpu.memory_space<hbm>> -> memref<10000x128xf32, #tpu.memory_space<hbm>>
        tpu.wait_indirect_dma semaphore(%arg10 : memref<!tpu.dma_semaphore, #tpu.memory_space<semaphore_mem>>) src(%dma_wait3A_82 : memref<10000x128xf32, #tpu.memory_space<hbm>>) dst(%arg7 : memref<128x128xf32, #tpu.memory_space<vmem>>)
        "tpu.region"() ({
          %run_scoped3A_96 = tpu.sem_alloc : memref<!tpu.dma_semaphore, #tpu.memory_space<semaphore_mem>>
          %dma_start3A_97 = arith.constant 0 : i32
          %dma_start3A_98 = tpu.memref_slice %arg6[%mul3A_68, %dma_start3A_97] : memref<16x128xi32, #tpu.memory_space<vmem>> -> memref<1x128xi32, #tpu.memory_space<vmem>>
          %dma_start3A_99 = tpu.memref_squeeze %dma_start3A_98 : memref<1x128xi32, #tpu.memory_space<vmem>> -> memref<128xi32, #tpu.memory_space<vmem>>
          %dma_start3A_100 = arith.constant 0 : i32
          %dma_start3A_101 = arith.constant 0 : i32
          %dma_start3A_102 = tpu.memref_slice %arg9[%dma_start3A_100, %dma_start3A_101] : memref<10240x128xf32, #tpu.memory_space<vmem_shared>> -> memref<10240x128xf32, #tpu.memory_space<vmem_shared>>
          tpu.enqueue_indirect_dma source(%arg7 : memref<128x128xf32, #tpu.memory_space<vmem>>) target(%dma_start3A_102 : memref<10240x128xf32, #tpu.memory_space<vmem_shared>>) offsets(%dma_start3A_99 : memref<128xi32, #tpu.memory_space<vmem>>) semaphore(%run_scoped3A_96 : memref<!tpu.dma_semaphore, #tpu.memory_space<semaphore_mem>>) {add = true}
          %dma_wait3A_103 = arith.constant 0 : i32
          %dma_wait3A_104 = tpu.memref_slice %arg6[%mul3A_68, %dma_wait3A_103] : memref<16x128xi32, #tpu.memory_space<vmem>> -> memref<1x128xi32, #tpu.memory_space<vmem>>
          %dma_wait3A_105 = tpu.memref_squeeze %dma_wait3A_104 : memref<1x128xi32, #tpu.memory_space<vmem>> -> memref<128xi32, #tpu.memory_space<vmem>>
          %dma_wait3A_106 = arith.constant 0 : i32
          %dma_wait3A_107 = arith.constant 0 : i32
          %dma_wait3A_108 = tpu.memref_slice %arg9[%dma_wait3A_106, %dma_wait3A_107] : memref<10240x128xf32, #tpu.memory_space<vmem_shared>> -> memref<10240x128xf32, #tpu.memory_space<vmem_shared>>
          tpu.wait_indirect_dma semaphore(%run_scoped3A_96 : memref<!tpu.dma_semaphore, #tpu.memory_space<semaphore_mem>>) src(%arg7 : memref<128x128xf32, #tpu.memory_space<vmem>>) dst(%dma_wait3A_108 : memref<10240x128xf32, #tpu.memory_space<vmem_shared>>)
          tpu.yield
        }) : () -> ()
        %lt3A = arith.constant 7 : i32
        %lt3A_83 = arith.cmpi slt, %scan3A_66, %lt3A : i32
        %convert_element_type3A_84 = arith.extui %lt3A_83 : i1 to i32
        %cond3A_85 = arith.constant 0 : i32
        %cond3A_86 = arith.cmpi ne, %convert_element_type3A_84, %cond3A_85 : i32
        scf.if %cond3A_86 {
          %add3A_96 = arith.constant 2 : i32
          %add3A_97 = arith.addi %mul3A_68, %add3A_96 : i32
          %dma_start3A_98 = arith.constant 0 : i32
          %dma_start3A_99 = tpu.memref_slice %arg5[%add3A_97, %dma_start3A_98] : memref<16x128xi32, #tpu.memory_space<vmem>> -> memref<1x128xi32, #tpu.memory_space<vmem>>
          %dma_start3A_100 = tpu.memref_squeeze %dma_start3A_99 : memref<1x128xi32, #tpu.memory_space<vmem>> -> memref<128xi32, #tpu.memory_space<vmem>>
          %dma_start3A_101 = arith.constant 0 : i32
          %dma_start3A_102 = arith.constant 0 : i32
          %dma_start3A_103 = tpu.memref_slice %arg3[%dma_start3A_101, %dma_start3A_102] : memref<10000x128xf32, #tpu.memory_space<hbm>> -> memref<10000x128xf32, #tpu.memory_space<hbm>>
          tpu.enqueue_indirect_dma source(%dma_start3A_103 : memref<10000x128xf32, #tpu.memory_space<hbm>>) target(%arg7 : memref<128x128xf32, #tpu.memory_space<vmem>>) offsets(%dma_start3A_100 : memref<128xi32, #tpu.memory_space<vmem>>) semaphore(%arg10 : memref<!tpu.dma_semaphore, #tpu.memory_space<semaphore_mem>>)
        } else {
        }
        %dma_wait3A_87 = arith.constant 0 : i32
        %dma_wait3A_88 = arith.constant 0 : i32
        %dma_wait3A_89 = tpu.memref_slice %arg5[%dma_wait3A_87, %dma_wait3A_88] : memref<16x128xi32, #tpu.memory_space<vmem>> -> memref<1x128xi32, #tpu.memory_space<vmem>>
        %dma_wait3A_90 = tpu.memref_squeeze %dma_wait3A_89 : memref<1x128xi32, #tpu.memory_space<vmem>> -> memref<128xi32, #tpu.memory_space<vmem>>
        %dma_wait3A_91 = arith.constant 0 : i32
        %dma_wait3A_92 = arith.constant 0 : i32
        %dma_wait3A_93 = tpu.memref_slice %arg3[%dma_wait3A_91, %dma_wait3A_92] : memref<10000x128xf32, #tpu.memory_space<hbm>> -> memref<10000x128xf32, #tpu.memory_space<hbm>>
        tpu.wait_indirect_dma semaphore(%arg11 : memref<!tpu.dma_semaphore, #tpu.memory_space<semaphore_mem>>) src(%dma_wait3A_93 : memref<10000x128xf32, #tpu.memory_space<hbm>>) dst(%arg8 : memref<128x128xf32, #tpu.memory_space<vmem>>)
        %add3A_94 = arith.constant 1 : i32
        %add3A_95 = arith.addi %mul3A_68, %add3A_94 : i32
        "tpu.region"() ({
          %run_scoped3A_96 = tpu.sem_alloc : memref<!tpu.dma_semaphore, #tpu.memory_space<semaphore_mem>>
          %dma_start3A_97 = arith.constant 0 : i32
          %dma_start3A_98 = tpu.memref_slice %arg6[%add3A_95, %dma_start3A_97] : memref<16x128xi32, #tpu.memory_space<vmem>> -> memref<1x128xi32, #tpu.memory_space<vmem>>
          %dma_start3A_99 = tpu.memref_squeeze %dma_start3A_98 : memref<1x128xi32, #tpu.memory_space<vmem>> -> memref<128xi32, #tpu.memory_space<vmem>>
          %dma_start3A_100 = arith.constant 0 : i32
          %dma_start3A_101 = arith.constant 0 : i32
          %dma_start3A_102 = tpu.memref_slice %arg9[%dma_start3A_100, %dma_start3A_101] : memref<10240x128xf32, #tpu.memory_space<vmem_shared>> -> memref<10240x128xf32, #tpu.memory_space<vmem_shared>>
          tpu.enqueue_indirect_dma source(%arg8 : memref<128x128xf32, #tpu.memory_space<vmem>>) target(%dma_start3A_102 : memref<10240x128xf32, #tpu.memory_space<vmem_shared>>) offsets(%dma_start3A_99 : memref<128xi32, #tpu.memory_space<vmem>>) semaphore(%run_scoped3A_96 : memref<!tpu.dma_semaphore, #tpu.memory_space<semaphore_mem>>) {add = true}
          %dma_wait3A_103 = arith.constant 0 : i32
          %dma_wait3A_104 = tpu.memref_slice %arg6[%add3A_95, %dma_wait3A_103] : memref<16x128xi32, #tpu.memory_space<vmem>> -> memref<1x128xi32, #tpu.memory_space<vmem>>
          %dma_wait3A_105 = tpu.memref_squeeze %dma_wait3A_104 : memref<1x128xi32, #tpu.memory_space<vmem>> -> memref<128xi32, #tpu.memory_space<vmem>>
          %dma_wait3A_106 = arith.constant 0 : i32
          %dma_wait3A_107 = arith.constant 0 : i32
          %dma_wait3A_108 = tpu.memref_slice %arg9[%dma_wait3A_106, %dma_wait3A_107] : memref<10240x128xf32, #tpu.memory_space<vmem_shared>> -> memref<10240x128xf32, #tpu.memory_space<vmem_shared>>
          tpu.wait_indirect_dma semaphore(%run_scoped3A_96 : memref<!tpu.dma_semaphore, #tpu.memory_space<semaphore_mem>>) src(%arg8 : memref<128x128xf32, #tpu.memory_space<vmem>>) dst(%dma_wait3A_108 : memref<10240x128xf32, #tpu.memory_space<vmem_shared>>)
          tpu.yield
        }) : () -> ()
      }
      %scan3A_65 = arith.constant 8 : i32
    }
    %while3A_39 = arith.constant 1 : i32
    scf.for %while3A_49 = %while3A_37 to %while3A_33 step %while3A_39  : i32 {
      %mul3A_50 = arith.constant 16 : i32
      %mul3A_51 = arith.muli %while3A_49, %mul3A_50 : i32
      %add3A_52 = arith.addi %mul3A_2, %mul3A_51 : i32
      %run_scoped3A = arith.constant 0 : i32
      "tpu.region"() ({
        %run_scoped3A_66 = tpu.sem_alloc : memref<!tpu.dma_semaphore, #tpu.memory_space<semaphore_mem>>
        %dma_start3A_67 = arith.constant 0 : i32
        %dma_start3A_68 = tpu.memref_slice %arg2[%run_scoped3A, %add3A_52, %dma_start3A_67] : memref<2x2500x128xi32, #tpu.memory_space<hbm>> -> memref<1x16x128xi32, #tpu.memory_space<hbm>>
        %dma_start3A_69 = tpu.memref_squeeze %dma_start3A_68 : memref<1x16x128xi32, #tpu.memory_space<hbm>> -> memref<16x128xi32, #tpu.memory_space<hbm>>
        %dma_start3A_70 = arith.constant 0 : i32
        %dma_start3A_71 = tpu.memref_slice %arg2[%run_scoped3A, %add3A_52, %dma_start3A_70] : memref<2x2500x128xi32, #tpu.memory_space<hbm>> -> memref<1x16x128xi32, #tpu.memory_space<hbm>>
        %dma_start3A_72 = tpu.memref_squeeze %dma_start3A_71 : memref<1x16x128xi32, #tpu.memory_space<hbm>> -> memref<16x128xi32, #tpu.memory_space<hbm>>
        tpu.enqueue_dma source(%dma_start3A_72 : memref<16x128xi32, #tpu.memory_space<hbm>>) target(%arg5 : memref<16x128xi32, #tpu.memory_space<vmem>>) target_semaphore(%run_scoped3A_66 : memref<!tpu.dma_semaphore, #tpu.memory_space<semaphore_mem>>)
        %dma_wait3A = arith.constant 0 : i32
        %dma_wait3A_73 = tpu.memref_slice %arg2[%run_scoped3A, %add3A_52, %dma_wait3A] : memref<2x2500x128xi32, #tpu.memory_space<hbm>> -> memref<1x16x128xi32, #tpu.memory_space<hbm>>
        %dma_wait3A_74 = tpu.memref_squeeze %dma_wait3A_73 : memref<1x16x128xi32, #tpu.memory_space<hbm>> -> memref<16x128xi32, #tpu.memory_space<hbm>>
        %dma_wait3A_75 = arith.constant 0 : i32
        %dma_wait3A_76 = tpu.memref_slice %arg2[%run_scoped3A, %add3A_52, %dma_wait3A_75] : memref<2x2500x128xi32, #tpu.memory_space<hbm>> -> memref<1x16x128xi32, #tpu.memory_space<hbm>>
        %dma_wait3A_77 = tpu.memref_squeeze %dma_wait3A_76 : memref<1x16x128xi32, #tpu.memory_space<hbm>> -> memref<16x128xi32, #tpu.memory_space<hbm>>
        tpu.wait_dma2 semaphore(%run_scoped3A_66 : memref<!tpu.dma_semaphore, #tpu.memory_space<semaphore_mem>>) src(%dma_wait3A_77 : memref<16x128xi32, #tpu.memory_space<hbm>>) dst(%arg5 : memref<16x128xi32, #tpu.memory_space<vmem>>)
        tpu.yield
      }) : () -> ()
      %run_scoped3A_53 = arith.constant 1 : i32
      "tpu.region"() ({
        %run_scoped3A_66 = tpu.sem_alloc : memref<!tpu.dma_semaphore, #tpu.memory_space<semaphore_mem>>
        %dma_start3A_67 = arith.constant 0 : i32
        %dma_start3A_68 = tpu.memref_slice %arg2[%run_scoped3A_53, %add3A_52, %dma_start3A_67] : memref<2x2500x128xi32, #tpu.memory_space<hbm>> -> memref<1x16x128xi32, #tpu.memory_space<hbm>>
        %dma_start3A_69 = tpu.memref_squeeze %dma_start3A_68 : memref<1x16x128xi32, #tpu.memory_space<hbm>> -> memref<16x128xi32, #tpu.memory_space<hbm>>
        %dma_start3A_70 = arith.constant 0 : i32
        %dma_start3A_71 = tpu.memref_slice %arg2[%run_scoped3A_53, %add3A_52, %dma_start3A_70] : memref<2x2500x128xi32, #tpu.memory_space<hbm>> -> memref<1x16x128xi32, #tpu.memory_space<hbm>>
        %dma_start3A_72 = tpu.memref_squeeze %dma_start3A_71 : memref<1x16x128xi32, #tpu.memory_space<hbm>> -> memref<16x128xi32, #tpu.memory_space<hbm>>
        tpu.enqueue_dma source(%dma_start3A_72 : memref<16x128xi32, #tpu.memory_space<hbm>>) target(%arg6 : memref<16x128xi32, #tpu.memory_space<vmem>>) target_semaphore(%run_scoped3A_66 : memref<!tpu.dma_semaphore, #tpu.memory_space<semaphore_mem>>)
        %dma_wait3A = arith.constant 0 : i32
        %dma_wait3A_73 = tpu.memref_slice %arg2[%run_scoped3A_53, %add3A_52, %dma_wait3A] : memref<2x2500x128xi32, #tpu.memory_space<hbm>> -> memref<1x16x128xi32, #tpu.memory_space<hbm>>
        %dma_wait3A_74 = tpu.memref_squeeze %dma_wait3A_73 : memref<1x16x128xi32, #tpu.memory_space<hbm>> -> memref<16x128xi32, #tpu.memory_space<hbm>>
        %dma_wait3A_75 = arith.constant 0 : i32
        %dma_wait3A_76 = tpu.memref_slice %arg2[%run_scoped3A_53, %add3A_52, %dma_wait3A_75] : memref<2x2500x128xi32, #tpu.memory_space<hbm>> -> memref<1x16x128xi32, #tpu.memory_space<hbm>>
        %dma_wait3A_77 = tpu.memref_squeeze %dma_wait3A_76 : memref<1x16x128xi32, #tpu.memory_space<hbm>> -> memref<16x128xi32, #tpu.memory_space<hbm>>
        tpu.wait_dma2 semaphore(%run_scoped3A_66 : memref<!tpu.dma_semaphore, #tpu.memory_space<semaphore_mem>>) src(%dma_wait3A_77 : memref<16x128xi32, #tpu.memory_space<hbm>>) dst(%arg6 : memref<16x128xi32, #tpu.memory_space<vmem>>)
        tpu.yield
      }) : () -> ()
      %dma_start3A = arith.constant 0 : i32
      %dma_start3A_54 = arith.constant 0 : i32
      %dma_start3A_55 = tpu.memref_slice %arg5[%dma_start3A, %dma_start3A_54] : memref<16x128xi32, #tpu.memory_space<vmem>> -> memref<1x128xi32, #tpu.memory_space<vmem>>
      %dma_start3A_56 = tpu.memref_squeeze %dma_start3A_55 : memref<1x128xi32, #tpu.memory_space<vmem>> -> memref<128xi32, #tpu.memory_space<vmem>>
      %dma_start3A_57 = arith.constant 0 : i32
      %dma_start3A_58 = arith.constant 0 : i32
      %dma_start3A_59 = tpu.memref_slice %arg3[%dma_start3A_57, %dma_start3A_58] : memref<10000x128xf32, #tpu.memory_space<hbm>> -> memref<10000x128xf32, #tpu.memory_space<hbm>>
      tpu.enqueue_indirect_dma source(%dma_start3A_59 : memref<10000x128xf32, #tpu.memory_space<hbm>>) target(%arg7 : memref<128x128xf32, #tpu.memory_space<vmem>>) offsets(%dma_start3A_56 : memref<128xi32, #tpu.memory_space<vmem>>) semaphore(%arg10 : memref<!tpu.dma_semaphore, #tpu.memory_space<semaphore_mem>>)
      %scan3A_60 = arith.constant 0 : i32
      %scan3A_61 = arith.constant 0 : i32
      %scan3A_62 = arith.constant 8 : i32
      %scan3A_63 = arith.addi %scan3A_61, %scan3A_62 : i32
      %scan3A_64 = arith.constant 1 : i32
      scf.for %scan3A_66 = %scan3A_61 to %scan3A_63 step %scan3A_64  : i32 {
        %mul3A_67 = arith.constant 2 : i32
        %mul3A_68 = arith.muli %mul3A_67, %scan3A_66 : i32
        %add3A_69 = arith.constant 1 : i32
        %add3A_70 = arith.addi %mul3A_68, %add3A_69 : i32
        %dma_start3A_71 = arith.constant 0 : i32
        %dma_start3A_72 = tpu.memref_slice %arg5[%add3A_70, %dma_start3A_71] : memref<16x128xi32, #tpu.memory_space<vmem>> -> memref<1x128xi32, #tpu.memory_space<vmem>>
        %dma_start3A_73 = tpu.memref_squeeze %dma_start3A_72 : memref<1x128xi32, #tpu.memory_space<vmem>> -> memref<128xi32, #tpu.memory_space<vmem>>
        %dma_start3A_74 = arith.constant 0 : i32
        %dma_start3A_75 = arith.constant 0 : i32
        %dma_start3A_76 = tpu.memref_slice %arg3[%dma_start3A_74, %dma_start3A_75] : memref<10000x128xf32, #tpu.memory_space<hbm>> -> memref<10000x128xf32, #tpu.memory_space<hbm>>
        tpu.enqueue_indirect_dma source(%dma_start3A_76 : memref<10000x128xf32, #tpu.memory_space<hbm>>) target(%arg8 : memref<128x128xf32, #tpu.memory_space<vmem>>) offsets(%dma_start3A_73 : memref<128xi32, #tpu.memory_space<vmem>>) semaphore(%arg11 : memref<!tpu.dma_semaphore, #tpu.memory_space<semaphore_mem>>)
        %dma_wait3A = arith.constant 0 : i32
        %dma_wait3A_77 = arith.constant 0 : i32
        %dma_wait3A_78 = tpu.memref_slice %arg5[%dma_wait3A, %dma_wait3A_77] : memref<16x128xi32, #tpu.memory_space<vmem>> -> memref<1x128xi32, #tpu.memory_space<vmem>>
        %dma_wait3A_79 = tpu.memref_squeeze %dma_wait3A_78 : memref<1x128xi32, #tpu.memory_space<vmem>> -> memref<128xi32, #tpu.memory_space<vmem>>
        %dma_wait3A_80 = arith.constant 0 : i32
        %dma_wait3A_81 = arith.constant 0 : i32
        %dma_wait3A_82 = tpu.memref_slice %arg3[%dma_wait3A_80, %dma_wait3A_81] : memref<10000x128xf32, #tpu.memory_space<hbm>> -> memref<10000x128xf32, #tpu.memory_space<hbm>>
        tpu.wait_indirect_dma semaphore(%arg10 : memref<!tpu.dma_semaphore, #tpu.memory_space<semaphore_mem>>) src(%dma_wait3A_82 : memref<10000x128xf32, #tpu.memory_space<hbm>>) dst(%arg7 : memref<128x128xf32, #tpu.memory_space<vmem>>)
        "tpu.region"() ({
          %run_scoped3A_96 = tpu.sem_alloc : memref<!tpu.dma_semaphore, #tpu.memory_space<semaphore_mem>>
          %dma_start3A_97 = arith.constant 0 : i32
          %dma_start3A_98 = tpu.memref_slice %arg6[%mul3A_68, %dma_start3A_97] : memref<16x128xi32, #tpu.memory_space<vmem>> -> memref<1x128xi32, #tpu.memory_space<vmem>>
          %dma_start3A_99 = tpu.memref_squeeze %dma_start3A_98 : memref<1x128xi32, #tpu.memory_space<vmem>> -> memref<128xi32, #tpu.memory_space<vmem>>
          %dma_start3A_100 = arith.constant 0 : i32
          %dma_start3A_101 = arith.constant 0 : i32
          %dma_start3A_102 = tpu.memref_slice %arg9[%dma_start3A_100, %dma_start3A_101] : memref<10240x128xf32, #tpu.memory_space<vmem_shared>> -> memref<10240x128xf32, #tpu.memory_space<vmem_shared>>
          tpu.enqueue_indirect_dma source(%arg7 : memref<128x128xf32, #tpu.memory_space<vmem>>) target(%dma_start3A_102 : memref<10240x128xf32, #tpu.memory_space<vmem_shared>>) offsets(%dma_start3A_99 : memref<128xi32, #tpu.memory_space<vmem>>) semaphore(%run_scoped3A_96 : memref<!tpu.dma_semaphore, #tpu.memory_space<semaphore_mem>>) {add = true}
          %dma_wait3A_103 = arith.constant 0 : i32
          %dma_wait3A_104 = tpu.memref_slice %arg6[%mul3A_68, %dma_wait3A_103] : memref<16x128xi32, #tpu.memory_space<vmem>> -> memref<1x128xi32, #tpu.memory_space<vmem>>
          %dma_wait3A_105 = tpu.memref_squeeze %dma_wait3A_104 : memref<1x128xi32, #tpu.memory_space<vmem>> -> memref<128xi32, #tpu.memory_space<vmem>>
          %dma_wait3A_106 = arith.constant 0 : i32
          %dma_wait3A_107 = arith.constant 0 : i32
          %dma_wait3A_108 = tpu.memref_slice %arg9[%dma_wait3A_106, %dma_wait3A_107] : memref<10240x128xf32, #tpu.memory_space<vmem_shared>> -> memref<10240x128xf32, #tpu.memory_space<vmem_shared>>
          tpu.wait_indirect_dma semaphore(%run_scoped3A_96 : memref<!tpu.dma_semaphore, #tpu.memory_space<semaphore_mem>>) src(%arg7 : memref<128x128xf32, #tpu.memory_space<vmem>>) dst(%dma_wait3A_108 : memref<10240x128xf32, #tpu.memory_space<vmem_shared>>)
          tpu.yield
        }) : () -> ()
        %lt3A = arith.constant 7 : i32
        %lt3A_83 = arith.cmpi slt, %scan3A_66, %lt3A : i32
        %convert_element_type3A_84 = arith.extui %lt3A_83 : i1 to i32
        %cond3A_85 = arith.constant 0 : i32
        %cond3A_86 = arith.cmpi ne, %convert_element_type3A_84, %cond3A_85 : i32
        scf.if %cond3A_86 {
          %add3A_96 = arith.constant 2 : i32
          %add3A_97 = arith.addi %mul3A_68, %add3A_96 : i32
          %dma_start3A_98 = arith.constant 0 : i32
          %dma_start3A_99 = tpu.memref_slice %arg5[%add3A_97, %dma_start3A_98] : memref<16x128xi32, #tpu.memory_space<vmem>> -> memref<1x128xi32, #tpu.memory_space<vmem>>
          %dma_start3A_100 = tpu.memref_squeeze %dma_start3A_99 : memref<1x128xi32, #tpu.memory_space<vmem>> -> memref<128xi32, #tpu.memory_space<vmem>>
          %dma_start3A_101 = arith.constant 0 : i32
          %dma_start3A_102 = arith.constant 0 : i32
          %dma_start3A_103 = tpu.memref_slice %arg3[%dma_start3A_101, %dma_start3A_102] : memref<10000x128xf32, #tpu.memory_space<hbm>> -> memref<10000x128xf32, #tpu.memory_space<hbm>>
          tpu.enqueue_indirect_dma source(%dma_start3A_103 : memref<10000x128xf32, #tpu.memory_space<hbm>>) target(%arg7 : memref<128x128xf32, #tpu.memory_space<vmem>>) offsets(%dma_start3A_100 : memref<128xi32, #tpu.memory_space<vmem>>) semaphore(%arg10 : memref<!tpu.dma_semaphore, #tpu.memory_space<semaphore_mem>>)
        } else {
        }
        %dma_wait3A_87 = arith.constant 0 : i32
        %dma_wait3A_88 = arith.constant 0 : i32
        %dma_wait3A_89 = tpu.memref_slice %arg5[%dma_wait3A_87, %dma_wait3A_88] : memref<16x128xi32, #tpu.memory_space<vmem>> -> memref<1x128xi32, #tpu.memory_space<vmem>>
        %dma_wait3A_90 = tpu.memref_squeeze %dma_wait3A_89 : memref<1x128xi32, #tpu.memory_space<vmem>> -> memref<128xi32, #tpu.memory_space<vmem>>
        %dma_wait3A_91 = arith.constant 0 : i32
        %dma_wait3A_92 = arith.constant 0 : i32
        %dma_wait3A_93 = tpu.memref_slice %arg3[%dma_wait3A_91, %dma_wait3A_92] : memref<10000x128xf32, #tpu.memory_space<hbm>> -> memref<10000x128xf32, #tpu.memory_space<hbm>>
        tpu.wait_indirect_dma semaphore(%arg11 : memref<!tpu.dma_semaphore, #tpu.memory_space<semaphore_mem>>) src(%dma_wait3A_93 : memref<10000x128xf32, #tpu.memory_space<hbm>>) dst(%arg8 : memref<128x128xf32, #tpu.memory_space<vmem>>)
        %add3A_94 = arith.constant 1 : i32
        %add3A_95 = arith.addi %mul3A_68, %add3A_94 : i32
        "tpu.region"() ({
          %run_scoped3A_96 = tpu.sem_alloc : memref<!tpu.dma_semaphore, #tpu.memory_space<semaphore_mem>>
          %dma_start3A_97 = arith.constant 0 : i32
          %dma_start3A_98 = tpu.memref_slice %arg6[%add3A_95, %dma_start3A_97] : memref<16x128xi32, #tpu.memory_space<vmem>> -> memref<1x128xi32, #tpu.memory_space<vmem>>
          %dma_start3A_99 = tpu.memref_squeeze %dma_start3A_98 : memref<1x128xi32, #tpu.memory_space<vmem>> -> memref<128xi32, #tpu.memory_space<vmem>>
          %dma_start3A_100 = arith.constant 0 : i32
          %dma_start3A_101 = arith.constant 0 : i32
          %dma_start3A_102 = tpu.memref_slice %arg9[%dma_start3A_100, %dma_start3A_101] : memref<10240x128xf32, #tpu.memory_space<vmem_shared>> -> memref<10240x128xf32, #tpu.memory_space<vmem_shared>>
          tpu.enqueue_indirect_dma source(%arg8 : memref<128x128xf32, #tpu.memory_space<vmem>>) target(%dma_start3A_102 : memref<10240x128xf32, #tpu.memory_space<vmem_shared>>) offsets(%dma_start3A_99 : memref<128xi32, #tpu.memory_space<vmem>>) semaphore(%run_scoped3A_96 : memref<!tpu.dma_semaphore, #tpu.memory_space<semaphore_mem>>) {add = true}
          %dma_wait3A_103 = arith.constant 0 : i32
          %dma_wait3A_104 = tpu.memref_slice %arg6[%add3A_95, %dma_wait3A_103] : memref<16x128xi32, #tpu.memory_space<vmem>> -> memref<1x128xi32, #tpu.memory_space<vmem>>
          %dma_wait3A_105 = tpu.memref_squeeze %dma_wait3A_104 : memref<1x128xi32, #tpu.memory_space<vmem>> -> memref<128xi32, #tpu.memory_space<vmem>>
          %dma_wait3A_106 = arith.constant 0 : i32
          %dma_wait3A_107 = arith.constant 0 : i32
          %dma_wait3A_108 = tpu.memref_slice %arg9[%dma_wait3A_106, %dma_wait3A_107] : memref<10240x128xf32, #tpu.memory_space<vmem_shared>> -> memref<10240x128xf32, #tpu.memory_space<vmem_shared>>
          tpu.wait_indirect_dma semaphore(%run_scoped3A_96 : memref<!tpu.dma_semaphore, #tpu.memory_space<semaphore_mem>>) src(%arg8 : memref<128x128xf32, #tpu.memory_space<vmem>>) dst(%dma_wait3A_108 : memref<10240x128xf32, #tpu.memory_space<vmem_shared>>)
          tpu.yield
        }) : () -> ()
      }
      %scan3A_65 = arith.constant 8 : i32
    }
    %convert_element_type3A = arith.extui %eq3A_3 : i1 to i32
    %cond3A = arith.constant 0 : i32
    %cond3A_40 = arith.cmpi ne, %convert_element_type3A, %cond3A : i32
    scf.if %cond3A_40 {
      %add3A_49 = arith.constant 16 : i32
      %add3A_50 = arith.addi %mul3A_2, %add3A_49 : i32
      %run_scoped3A = arith.constant 0 : i32
      "tpu.region"() ({
        %run_scoped3A_64 = tpu.sem_alloc : memref<!tpu.dma_semaphore, #tpu.memory_space<semaphore_mem>>
        %dma_start3A_65 = arith.constant 0 : i32
        %dma_start3A_66 = arith.constant 0 : i32
        %dma_start3A_67 = tpu.memref_slice %arg5[%dma_start3A_65, %dma_start3A_66] : memref<16x128xi32, #tpu.memory_space<vmem>> -> memref<4x128xi32, #tpu.memory_space<vmem>>
        %dma_start3A_68 = arith.constant 0 : i32
        %dma_start3A_69 = tpu.memref_slice %arg2[%run_scoped3A, %add3A_50, %dma_start3A_68] : memref<2x2500x128xi32, #tpu.memory_space<hbm>> -> memref<1x4x128xi32, #tpu.memory_space<hbm>>
        %dma_start3A_70 = tpu.memref_squeeze %dma_start3A_69 : memref<1x4x128xi32, #tpu.memory_space<hbm>> -> memref<4x128xi32, #tpu.memory_space<hbm>>
        %dma_start3A_71 = arith.constant 0 : i32
        %dma_start3A_72 = arith.constant 0 : i32
        %dma_start3A_73 = tpu.memref_slice %arg5[%dma_start3A_71, %dma_start3A_72] : memref<16x128xi32, #tpu.memory_space<vmem>> -> memref<4x128xi32, #tpu.memory_space<vmem>>
        %dma_start3A_74 = arith.constant 0 : i32
        %dma_start3A_75 = tpu.memref_slice %arg2[%run_scoped3A, %add3A_50, %dma_start3A_74] : memref<2x2500x128xi32, #tpu.memory_space<hbm>> -> memref<1x4x128xi32, #tpu.memory_space<hbm>>
        %dma_start3A_76 = tpu.memref_squeeze %dma_start3A_75 : memref<1x4x128xi32, #tpu.memory_space<hbm>> -> memref<4x128xi32, #tpu.memory_space<hbm>>
        tpu.enqueue_dma source(%dma_start3A_76 : memref<4x128xi32, #tpu.memory_space<hbm>>) target(%dma_start3A_73 : memref<4x128xi32, #tpu.memory_space<vmem>>) target_semaphore(%run_scoped3A_64 : memref<!tpu.dma_semaphore, #tpu.memory_space<semaphore_mem>>)
        %dma_wait3A = arith.constant 0 : i32
        %dma_wait3A_77 = arith.constant 0 : i32
        %dma_wait3A_78 = tpu.memref_slice %arg5[%dma_wait3A, %dma_wait3A_77] : memref<16x128xi32, #tpu.memory_space<vmem>> -> memref<4x128xi32, #tpu.memory_space<vmem>>
        %dma_wait3A_79 = arith.constant 0 : i32
        %dma_wait3A_80 = tpu.memref_slice %arg2[%run_scoped3A, %add3A_50, %dma_wait3A_79] : memref<2x2500x128xi32, #tpu.memory_space<hbm>> -> memref<1x4x128xi32, #tpu.memory_space<hbm>>
        %dma_wait3A_81 = tpu.memref_squeeze %dma_wait3A_80 : memref<1x4x128xi32, #tpu.memory_space<hbm>> -> memref<4x128xi32, #tpu.memory_space<hbm>>
        %dma_wait3A_82 = arith.constant 0 : i32
        %dma_wait3A_83 = arith.constant 0 : i32
        %dma_wait3A_84 = tpu.memref_slice %arg5[%dma_wait3A_82, %dma_wait3A_83] : memref<16x128xi32, #tpu.memory_space<vmem>> -> memref<4x128xi32, #tpu.memory_space<vmem>>
        %dma_wait3A_85 = arith.constant 0 : i32
        %dma_wait3A_86 = tpu.memref_slice %arg2[%run_scoped3A, %add3A_50, %dma_wait3A_85] : memref<2x2500x128xi32, #tpu.memory_space<hbm>> -> memref<1x4x128xi32, #tpu.memory_space<hbm>>
        %dma_wait3A_87 = tpu.memref_squeeze %dma_wait3A_86 : memref<1x4x128xi32, #tpu.memory_space<hbm>> -> memref<4x128xi32, #tpu.memory_space<hbm>>
        tpu.wait_dma2 semaphore(%run_scoped3A_64 : memref<!tpu.dma_semaphore, #tpu.memory_space<semaphore_mem>>) src(%dma_wait3A_87 : memref<4x128xi32, #tpu.memory_space<hbm>>) dst(%dma_wait3A_84 : memref<4x128xi32, #tpu.memory_space<vmem>>)
        tpu.yield
      }) : () -> ()
      %run_scoped3A_51 = arith.constant 1 : i32
      "tpu.region"() ({
        %run_scoped3A_64 = tpu.sem_alloc : memref<!tpu.dma_semaphore, #tpu.memory_space<semaphore_mem>>
        %dma_start3A_65 = arith.constant 0 : i32
        %dma_start3A_66 = arith.constant 0 : i32
        %dma_start3A_67 = tpu.memref_slice %arg6[%dma_start3A_65, %dma_start3A_66] : memref<16x128xi32, #tpu.memory_space<vmem>> -> memref<4x128xi32, #tpu.memory_space<vmem>>
        %dma_start3A_68 = arith.constant 0 : i32
        %dma_start3A_69 = tpu.memref_slice %arg2[%run_scoped3A_51, %add3A_50, %dma_start3A_68] : memref<2x2500x128xi32, #tpu.memory_space<hbm>> -> memref<1x4x128xi32, #tpu.memory_space<hbm>>
        %dma_start3A_70 = tpu.memref_squeeze %dma_start3A_69 : memref<1x4x128xi32, #tpu.memory_space<hbm>> -> memref<4x128xi32, #tpu.memory_space<hbm>>
        %dma_start3A_71 = arith.constant 0 : i32
        %dma_start3A_72 = arith.constant 0 : i32
        %dma_start3A_73 = tpu.memref_slice %arg6[%dma_start3A_71, %dma_start3A_72] : memref<16x128xi32, #tpu.memory_space<vmem>> -> memref<4x128xi32, #tpu.memory_space<vmem>>
        %dma_start3A_74 = arith.constant 0 : i32
        %dma_start3A_75 = tpu.memref_slice %arg2[%run_scoped3A_51, %add3A_50, %dma_start3A_74] : memref<2x2500x128xi32, #tpu.memory_space<hbm>> -> memref<1x4x128xi32, #tpu.memory_space<hbm>>
        %dma_start3A_76 = tpu.memref_squeeze %dma_start3A_75 : memref<1x4x128xi32, #tpu.memory_space<hbm>> -> memref<4x128xi32, #tpu.memory_space<hbm>>
        tpu.enqueue_dma source(%dma_start3A_76 : memref<4x128xi32, #tpu.memory_space<hbm>>) target(%dma_start3A_73 : memref<4x128xi32, #tpu.memory_space<vmem>>) target_semaphore(%run_scoped3A_64 : memref<!tpu.dma_semaphore, #tpu.memory_space<semaphore_mem>>)
        %dma_wait3A = arith.constant 0 : i32
        %dma_wait3A_77 = arith.constant 0 : i32
        %dma_wait3A_78 = tpu.memref_slice %arg6[%dma_wait3A, %dma_wait3A_77] : memref<16x128xi32, #tpu.memory_space<vmem>> -> memref<4x128xi32, #tpu.memory_space<vmem>>
        %dma_wait3A_79 = arith.constant 0 : i32
        %dma_wait3A_80 = tpu.memref_slice %arg2[%run_scoped3A_51, %add3A_50, %dma_wait3A_79] : memref<2x2500x128xi32, #tpu.memory_space<hbm>> -> memref<1x4x128xi32, #tpu.memory_space<hbm>>
        %dma_wait3A_81 = tpu.memref_squeeze %dma_wait3A_80 : memref<1x4x128xi32, #tpu.memory_space<hbm>> -> memref<4x128xi32, #tpu.memory_space<hbm>>
        %dma_wait3A_82 = arith.constant 0 : i32
        %dma_wait3A_83 = arith.constant 0 : i32
        %dma_wait3A_84 = tpu.memref_slice %arg6[%dma_wait3A_82, %dma_wait3A_83] : memref<16x128xi32, #tpu.memory_space<vmem>> -> memref<4x128xi32, #tpu.memory_space<vmem>>
        %dma_wait3A_85 = arith.constant 0 : i32
        %dma_wait3A_86 = tpu.memref_slice %arg2[%run_scoped3A_51, %add3A_50, %dma_wait3A_85] : memref<2x2500x128xi32, #tpu.memory_space<hbm>> -> memref<1x4x128xi32, #tpu.memory_space<hbm>>
        %dma_wait3A_87 = tpu.memref_squeeze %dma_wait3A_86 : memref<1x4x128xi32, #tpu.memory_space<hbm>> -> memref<4x128xi32, #tpu.memory_space<hbm>>
        tpu.wait_dma2 semaphore(%run_scoped3A_64 : memref<!tpu.dma_semaphore, #tpu.memory_space<semaphore_mem>>) src(%dma_wait3A_87 : memref<4x128xi32, #tpu.memory_space<hbm>>) dst(%dma_wait3A_84 : memref<4x128xi32, #tpu.memory_space<vmem>>)
        tpu.yield
      }) : () -> ()
      %dma_start3A = arith.constant 0 : i32
      %dma_start3A_52 = arith.constant 0 : i32
      %dma_start3A_53 = tpu.memref_slice %arg5[%dma_start3A, %dma_start3A_52] : memref<16x128xi32, #tpu.memory_space<vmem>> -> memref<1x128xi32, #tpu.memory_space<vmem>>
      %dma_start3A_54 = tpu.memref_squeeze %dma_start3A_53 : memref<1x128xi32, #tpu.memory_space<vmem>> -> memref<128xi32, #tpu.memory_space<vmem>>
      %dma_start3A_55 = arith.constant 0 : i32
      %dma_start3A_56 = arith.constant 0 : i32
      %dma_start3A_57 = tpu.memref_slice %arg3[%dma_start3A_55, %dma_start3A_56] : memref<10000x128xf32, #tpu.memory_space<hbm>> -> memref<10000x128xf32, #tpu.memory_space<hbm>>
      tpu.enqueue_indirect_dma source(%dma_start3A_57 : memref<10000x128xf32, #tpu.memory_space<hbm>>) target(%arg7 : memref<128x128xf32, #tpu.memory_space<vmem>>) offsets(%dma_start3A_54 : memref<128xi32, #tpu.memory_space<vmem>>) semaphore(%arg10 : memref<!tpu.dma_semaphore, #tpu.memory_space<semaphore_mem>>)
      %scan3A_58 = arith.constant 0 : i32
      %scan3A_59 = arith.constant 0 : i32
      %scan3A_60 = arith.constant 2 : i32
      %scan3A_61 = arith.addi %scan3A_59, %scan3A_60 : i32
      %scan3A_62 = arith.constant 1 : i32
      scf.for %scan3A_64 = %scan3A_59 to %scan3A_61 step %scan3A_62  : i32 {
        %mul3A_65 = arith.constant 2 : i32
        %mul3A_66 = arith.muli %mul3A_65, %scan3A_64 : i32
        %add3A_67 = arith.constant 1 : i32
        %add3A_68 = arith.addi %mul3A_66, %add3A_67 : i32
        %dma_start3A_69 = arith.constant 0 : i32
        %dma_start3A_70 = tpu.memref_slice %arg5[%add3A_68, %dma_start3A_69] : memref<16x128xi32, #tpu.memory_space<vmem>> -> memref<1x128xi32, #tpu.memory_space<vmem>>
        %dma_start3A_71 = tpu.memref_squeeze %dma_start3A_70 : memref<1x128xi32, #tpu.memory_space<vmem>> -> memref<128xi32, #tpu.memory_space<vmem>>
        %dma_start3A_72 = arith.constant 0 : i32
        %dma_start3A_73 = arith.constant 0 : i32
        %dma_start3A_74 = tpu.memref_slice %arg3[%dma_start3A_72, %dma_start3A_73] : memref<10000x128xf32, #tpu.memory_space<hbm>> -> memref<10000x128xf32, #tpu.memory_space<hbm>>
        tpu.enqueue_indirect_dma source(%dma_start3A_74 : memref<10000x128xf32, #tpu.memory_space<hbm>>) target(%arg8 : memref<128x128xf32, #tpu.memory_space<vmem>>) offsets(%dma_start3A_71 : memref<128xi32, #tpu.memory_space<vmem>>) semaphore(%arg11 : memref<!tpu.dma_semaphore, #tpu.memory_space<semaphore_mem>>)
        %dma_wait3A = arith.constant 0 : i32
        %dma_wait3A_75 = arith.constant 0 : i32
        %dma_wait3A_76 = tpu.memref_slice %arg5[%dma_wait3A, %dma_wait3A_75] : memref<16x128xi32, #tpu.memory_space<vmem>> -> memref<1x128xi32, #tpu.memory_space<vmem>>
        %dma_wait3A_77 = tpu.memref_squeeze %dma_wait3A_76 : memref<1x128xi32, #tpu.memory_space<vmem>> -> memref<128xi32, #tpu.memory_space<vmem>>
        %dma_wait3A_78 = arith.constant 0 : i32
        %dma_wait3A_79 = arith.constant 0 : i32
        %dma_wait3A_80 = tpu.memref_slice %arg3[%dma_wait3A_78, %dma_wait3A_79] : memref<10000x128xf32, #tpu.memory_space<hbm>> -> memref<10000x128xf32, #tpu.memory_space<hbm>>
        tpu.wait_indirect_dma semaphore(%arg10 : memref<!tpu.dma_semaphore, #tpu.memory_space<semaphore_mem>>) src(%dma_wait3A_80 : memref<10000x128xf32, #tpu.memory_space<hbm>>) dst(%arg7 : memref<128x128xf32, #tpu.memory_space<vmem>>)
        "tpu.region"() ({
          %run_scoped3A_94 = tpu.sem_alloc : memref<!tpu.dma_semaphore, #tpu.memory_space<semaphore_mem>>
          %dma_start3A_95 = arith.constant 0 : i32
          %dma_start3A_96 = tpu.memref_slice %arg6[%mul3A_66, %dma_start3A_95] : memref<16x128xi32, #tpu.memory_space<vmem>> -> memref<1x128xi32, #tpu.memory_space<vmem>>
          %dma_start3A_97 = tpu.memref_squeeze %dma_start3A_96 : memref<1x128xi32, #tpu.memory_space<vmem>> -> memref<128xi32, #tpu.memory_space<vmem>>
          %dma_start3A_98 = arith.constant 0 : i32
          %dma_start3A_99 = arith.constant 0 : i32
          %dma_start3A_100 = tpu.memref_slice %arg9[%dma_start3A_98, %dma_start3A_99] : memref<10240x128xf32, #tpu.memory_space<vmem_shared>> -> memref<10240x128xf32, #tpu.memory_space<vmem_shared>>
          tpu.enqueue_indirect_dma source(%arg7 : memref<128x128xf32, #tpu.memory_space<vmem>>) target(%dma_start3A_100 : memref<10240x128xf32, #tpu.memory_space<vmem_shared>>) offsets(%dma_start3A_97 : memref<128xi32, #tpu.memory_space<vmem>>) semaphore(%run_scoped3A_94 : memref<!tpu.dma_semaphore, #tpu.memory_space<semaphore_mem>>) {add = true}
          %dma_wait3A_101 = arith.constant 0 : i32
          %dma_wait3A_102 = tpu.memref_slice %arg6[%mul3A_66, %dma_wait3A_101] : memref<16x128xi32, #tpu.memory_space<vmem>> -> memref<1x128xi32, #tpu.memory_space<vmem>>
          %dma_wait3A_103 = tpu.memref_squeeze %dma_wait3A_102 : memref<1x128xi32, #tpu.memory_space<vmem>> -> memref<128xi32, #tpu.memory_space<vmem>>
          %dma_wait3A_104 = arith.constant 0 : i32
          %dma_wait3A_105 = arith.constant 0 : i32
          %dma_wait3A_106 = tpu.memref_slice %arg9[%dma_wait3A_104, %dma_wait3A_105] : memref<10240x128xf32, #tpu.memory_space<vmem_shared>> -> memref<10240x128xf32, #tpu.memory_space<vmem_shared>>
          tpu.wait_indirect_dma semaphore(%run_scoped3A_94 : memref<!tpu.dma_semaphore, #tpu.memory_space<semaphore_mem>>) src(%arg7 : memref<128x128xf32, #tpu.memory_space<vmem>>) dst(%dma_wait3A_106 : memref<10240x128xf32, #tpu.memory_space<vmem_shared>>)
          tpu.yield
        }) : () -> ()
        %lt3A = arith.constant 1 : i32
        %lt3A_81 = arith.cmpi slt, %scan3A_64, %lt3A : i32
        %convert_element_type3A_82 = arith.extui %lt3A_81 : i1 to i32
        %cond3A_83 = arith.constant 0 : i32
        %cond3A_84 = arith.cmpi ne, %convert_element_type3A_82, %cond3A_83 : i32
        scf.if %cond3A_84 {
          %add3A_94 = arith.constant 2 : i32
          %add3A_95 = arith.addi %mul3A_66, %add3A_94 : i32
          %dma_start3A_96 = arith.constant 0 : i32
          %dma_start3A_97 = tpu.memref_slice %arg5[%add3A_95, %dma_start3A_96] : memref<16x128xi32, #tpu.memory_space<vmem>> -> memref<1x128xi32, #tpu.memory_space<vmem>>
          %dma_start3A_98 = tpu.memref_squeeze %dma_start3A_97 : memref<1x128xi32, #tpu.memory_space<vmem>> -> memref<128xi32, #tpu.memory_space<vmem>>
          %dma_start3A_99 = arith.constant 0 : i32
          %dma_start3A_100 = arith.constant 0 : i32
          %dma_start3A_101 = tpu.memref_slice %arg3[%dma_start3A_99, %dma_start3A_100] : memref<10000x128xf32, #tpu.memory_space<hbm>> -> memref<10000x128xf32, #tpu.memory_space<hbm>>
          tpu.enqueue_indirect_dma source(%dma_start3A_101 : memref<10000x128xf32, #tpu.memory_space<hbm>>) target(%arg7 : memref<128x128xf32, #tpu.memory_space<vmem>>) offsets(%dma_start3A_98 : memref<128xi32, #tpu.memory_space<vmem>>) semaphore(%arg10 : memref<!tpu.dma_semaphore, #tpu.memory_space<semaphore_mem>>)
        } else {
        }
        %dma_wait3A_85 = arith.constant 0 : i32
        %dma_wait3A_86 = arith.constant 0 : i32
        %dma_wait3A_87 = tpu.memref_slice %arg5[%dma_wait3A_85, %dma_wait3A_86] : memref<16x128xi32, #tpu.memory_space<vmem>> -> memref<1x128xi32, #tpu.memory_space<vmem>>
        %dma_wait3A_88 = tpu.memref_squeeze %dma_wait3A_87 : memref<1x128xi32, #tpu.memory_space<vmem>> -> memref<128xi32, #tpu.memory_space<vmem>>
        %dma_wait3A_89 = arith.constant 0 : i32
        %dma_wait3A_90 = arith.constant 0 : i32
        %dma_wait3A_91 = tpu.memref_slice %arg3[%dma_wait3A_89, %dma_wait3A_90] : memref<10000x128xf32, #tpu.memory_space<hbm>> -> memref<10000x128xf32, #tpu.memory_space<hbm>>
        tpu.wait_indirect_dma semaphore(%arg11 : memref<!tpu.dma_semaphore, #tpu.memory_space<semaphore_mem>>) src(%dma_wait3A_91 : memref<10000x128xf32, #tpu.memory_space<hbm>>) dst(%arg8 : memref<128x128xf32, #tpu.memory_space<vmem>>)
        %add3A_92 = arith.constant 1 : i32
        %add3A_93 = arith.addi %mul3A_66, %add3A_92 : i32
        "tpu.region"() ({
          %run_scoped3A_94 = tpu.sem_alloc : memref<!tpu.dma_semaphore, #tpu.memory_space<semaphore_mem>>
          %dma_start3A_95 = arith.constant 0 : i32
          %dma_start3A_96 = tpu.memref_slice %arg6[%add3A_93, %dma_start3A_95] : memref<16x128xi32, #tpu.memory_space<vmem>> -> memref<1x128xi32, #tpu.memory_space<vmem>>
          %dma_start3A_97 = tpu.memref_squeeze %dma_start3A_96 : memref<1x128xi32, #tpu.memory_space<vmem>> -> memref<128xi32, #tpu.memory_space<vmem>>
          %dma_start3A_98 = arith.constant 0 : i32
          %dma_start3A_99 = arith.constant 0 : i32
          %dma_start3A_100 = tpu.memref_slice %arg9[%dma_start3A_98, %dma_start3A_99] : memref<10240x128xf32, #tpu.memory_space<vmem_shared>> -> memref<10240x128xf32, #tpu.memory_space<vmem_shared>>
          tpu.enqueue_indirect_dma source(%arg8 : memref<128x128xf32, #tpu.memory_space<vmem>>) target(%dma_start3A_100 : memref<10240x128xf32, #tpu.memory_space<vmem_shared>>) offsets(%dma_start3A_97 : memref<128xi32, #tpu.memory_space<vmem>>) semaphore(%run_scoped3A_94 : memref<!tpu.dma_semaphore, #tpu.memory_space<semaphore_mem>>) {add = true}
          %dma_wait3A_101 = arith.constant 0 : i32
          %dma_wait3A_102 = tpu.memref_slice %arg6[%add3A_93, %dma_wait3A_101] : memref<16x128xi32, #tpu.memory_space<vmem>> -> memref<1x128xi32, #tpu.memory_space<vmem>>
          %dma_wait3A_103 = tpu.memref_squeeze %dma_wait3A_102 : memref<1x128xi32, #tpu.memory_space<vmem>> -> memref<128xi32, #tpu.memory_space<vmem>>
          %dma_wait3A_104 = arith.constant 0 : i32
          %dma_wait3A_105 = arith.constant 0 : i32
          %dma_wait3A_106 = tpu.memref_slice %arg9[%dma_wait3A_104, %dma_wait3A_105] : memref<10240x128xf32, #tpu.memory_space<vmem_shared>> -> memref<10240x128xf32, #tpu.memory_space<vmem_shared>>
          tpu.wait_indirect_dma semaphore(%run_scoped3A_94 : memref<!tpu.dma_semaphore, #tpu.memory_space<semaphore_mem>>) src(%arg8 : memref<128x128xf32, #tpu.memory_space<vmem>>) dst(%dma_wait3A_106 : memref<10240x128xf32, #tpu.memory_space<vmem_shared>>)
          tpu.yield
        }) : () -> ()
      }
      %scan3A_63 = arith.constant 2 : i32
    } else {
    }
    %barrier3A_41 = arith.constant 0 : index
    tpu.barrier barrier_id(%barrier3A_41)
    "tpu.trace_stop"() : () -> ()
    "tpu.trace_start"() <{level = 10 : i32, message = "sc_out"}> : () -> ()
    %mul3A_42 = arith.constant 640 : i32
    %mul3A_43 = arith.muli %arg1, %mul3A_42 : i32
    %mul3A_44 = arith.constant 10240 : i32
    %mul3A_45 = arith.muli %arg0, %mul3A_44 : i32
    %mul3A_46 = arith.constant 640 : i32
    %mul3A_47 = arith.muli %arg1, %mul3A_46 : i32
    %add3A_48 = arith.addi %mul3A_45, %mul3A_47 : i32
    "tpu.region"() ({
      %run_scoped3A = tpu.sem_alloc : memref<!tpu.dma_semaphore, #tpu.memory_space<semaphore_mem>>
      %dma_start3A = arith.constant 0 : i32
      %dma_start3A_49 = tpu.memref_slice %arg4[%add3A_48, %dma_start3A] : memref<20480x128xf32, #tpu.memory_space<hbm>> -> memref<640x128xf32, #tpu.memory_space<hbm>>
      %dma_start3A_50 = arith.constant 0 : i32
      %dma_start3A_51 = tpu.memref_slice %arg9[%mul3A_43, %dma_start3A_50] : memref<10240x128xf32, #tpu.memory_space<vmem_shared>> -> memref<640x128xf32, #tpu.memory_space<vmem_shared>>
      tpu.enqueue_dma source(%dma_start3A_51 : memref<640x128xf32, #tpu.memory_space<vmem_shared>>) target(%dma_start3A_49 : memref<640x128xf32, #tpu.memory_space<hbm>>) target_semaphore(%run_scoped3A : memref<!tpu.dma_semaphore, #tpu.memory_space<semaphore_mem>>)
      %dma_wait3A = arith.constant 0 : i32
      %dma_wait3A_52 = tpu.memref_slice %arg4[%add3A_48, %dma_wait3A] : memref<20480x128xf32, #tpu.memory_space<hbm>> -> memref<640x128xf32, #tpu.memory_space<hbm>>
      %dma_wait3A_53 = arith.constant 0 : i32
      %dma_wait3A_54 = tpu.memref_slice %arg9[%mul3A_43, %dma_wait3A_53] : memref<10240x128xf32, #tpu.memory_space<vmem_shared>> -> memref<640x128xf32, #tpu.memory_space<vmem_shared>>
      tpu.wait_dma2 semaphore(%run_scoped3A : memref<!tpu.dma_semaphore, #tpu.memory_space<semaphore_mem>>) src(%dma_wait3A_54 : memref<640x128xf32, #tpu.memory_space<vmem_shared>>) dst(%dma_wait3A_52 : memref<640x128xf32, #tpu.memory_space<hbm>>)
      tpu.yield
    }) : () -> ()
    "tpu.trace_stop"() : () -> ()
    return
  }
}

module attributes {stable_mosaic.version = 14 : i64} {
  func.func @_tc_dense_body(%arg0: i32, %arg1: memref<1000x128xf32, #tpu.memory_space<vmem>>, %arg2: memref<1000x128xf32, #tpu.memory_space<vmem>>, %arg3: memref<1000x128xf32, #tpu.memory_space<vmem>>, %arg4: memref<128x128xf32, #tpu.memory_space<vmem>>, %arg5: memref<128x384xf32, #tpu.memory_space<vmem>>, %arg6: memref<128x384xf32, #tpu.memory_space<vmem>>, %arg7: memref<1x128xf32, #tpu.memory_space<vmem>>, %arg8: memref<1x384xf32, #tpu.memory_space<vmem>>, %arg9: memref<1x384xf32, #tpu.memory_space<vmem>>, %arg10: memref<1x128xf32, #tpu.memory_space<vmem>>, %arg11: memref<1x128xf32, #tpu.memory_space<vmem>>, %arg12: memref<1000x128xf32, #tpu.memory_space<vmem>>) attributes {dimension_semantics = [#tpu.dimension_semantics<arbitrary>], iteration_bounds = array<i64: 10>, scalar_prefetch = 0 : i64, scratch_operands = 0 : i64, tpu.core_type = #tpu.core_type<tc>, window_params = [{transform_indices = @transform_0, window_bounds = array<i64: 1000, 128>}, {transform_indices = @transform_1, window_bounds = array<i64: 1000, 128>}, {transform_indices = @transform_2, window_bounds = array<i64: 1000, 128>}, {pipeline_mode = #tpu.pipeline_mode<synchronous>, transform_indices = @transform_3, window_bounds = array<i64: 128, 128>}, {pipeline_mode = #tpu.pipeline_mode<synchronous>, transform_indices = @transform_4, window_bounds = array<i64: 128, 384>}, {pipeline_mode = #tpu.pipeline_mode<synchronous>, transform_indices = @transform_5, window_bounds = array<i64: 128, 384>}, {pipeline_mode = #tpu.pipeline_mode<synchronous>, transform_indices = @transform_6, window_bounds = array<i64: 1, 128>}, {pipeline_mode = #tpu.pipeline_mode<synchronous>, transform_indices = @transform_7, window_bounds = array<i64: 1, 384>}, {pipeline_mode = #tpu.pipeline_mode<synchronous>, transform_indices = @transform_8, window_bounds = array<i64: 1, 384>}, {pipeline_mode = #tpu.pipeline_mode<synchronous>, transform_indices = @transform_9, window_bounds = array<i64: 1, 128>}, {pipeline_mode = #tpu.pipeline_mode<synchronous>, transform_indices = @transform_10, window_bounds = array<i64: 1, 128>}, {transform_indices = @transform_11, window_bounds = array<i64: 1000, 128>}]} {
    %get3A = arith.constant 0 : index
    %get3A_0 = arith.constant 0 : index
    %get3A_1 = vector.load %arg1[%get3A, %get3A_0] : memref<1000x128xf32, #tpu.memory_space<vmem>>, vector<1000x128xf32>
    %get3A_2 = arith.constant 0 : index
    %get3A_3 = arith.constant 0 : index
    %get3A_4 = vector.load %arg2[%get3A_2, %get3A_3] : memref<1000x128xf32, #tpu.memory_space<vmem>>, vector<1000x128xf32>
    %add3A = arith.addf %get3A_1, %get3A_4 : vector<1000x128xf32>
    %get3A_5 = arith.constant 0 : index
    %get3A_6 = arith.constant 0 : index
    %get3A_7 = vector.load %arg3[%get3A_5, %get3A_6] : memref<1000x128xf32, #tpu.memory_space<vmem>>, vector<1000x128xf32>
    %get3A_8 = arith.constant 0 : index
    %get3A_9 = arith.constant 0 : index
    %get3A_10 = vector.load %arg4[%get3A_8, %get3A_9] : memref<128x128xf32, #tpu.memory_space<vmem>>, vector<128x128xf32>
    %dot_general3A = arith.constant dense<0.000000e+00> : vector<1000x128xf32>
    %dot_general3A_11 = tpu.matmul %add3A, %get3A_10, %dot_general3A {dimension_numbers = #tpu.dot_dimension_numbers<[1], [0], [0], [1], [0, 0, 1, 1], [], []>, transpose_lhs_hint = false} : vector<1000x128xf32>, vector<128x128xf32>, vector<1000x128xf32> -> vector<1000x128xf32>
    %get3A_12 = arith.constant 0 : index
    %get3A_13 = arith.constant 0 : index
    %get3A_14 = vector.load %arg7[%get3A_12, %get3A_13] : memref<1x128xf32, #tpu.memory_space<vmem>>, vector<1x128xf32>
    %add3A_15 = vector.broadcast %get3A_14 : vector<1x128xf32> to vector<1000x128xf32>
    %add3A_16 = arith.addf %dot_general3A_11, %add3A_15 : vector<1000x128xf32>
    %gt3A = arith.constant 0.000000e+00 : f32
    %gt3A_17 = vector.broadcast %gt3A : f32 to vector<1000x128xf32>
    %gt3A_18 = arith.cmpf ogt, %add3A_16, %gt3A_17 : vector<1000x128xf32>
    %min3A = arith.constant 0.000000e+00 : f32
    %min3A_19 = vector.broadcast %min3A : f32 to vector<1000x128xf32>
    %min3A_20 = arith.minimumf %add3A_16, %min3A_19 : vector<1000x128xf32>
    %exp3A = math.exp %min3A_20 : vector<1000x128xf32>
    %sub3A = arith.constant 1.000000e+00 : f32
    %sub3A_21 = vector.broadcast %sub3A : f32 to vector<1000x128xf32>
    %sub3A_22 = arith.subf %exp3A, %sub3A_21 : vector<1000x128xf32>
    %select_n3A = arith.select %gt3A_18, %add3A_16, %sub3A_22 : vector<1000x128xi1>, vector<1000x128xf32>
    %get3A_23 = arith.constant 0 : index
    %get3A_24 = arith.constant 0 : index
    %get3A_25 = vector.load %arg5[%get3A_23, %get3A_24] : memref<128x384xf32, #tpu.memory_space<vmem>>, vector<128x384xf32>
    %dot_general3A_26 = arith.constant dense<0.000000e+00> : vector<1000x384xf32>
    %dot_general3A_27 = tpu.matmul %select_n3A, %get3A_25, %dot_general3A_26 {dimension_numbers = #tpu.dot_dimension_numbers<[1], [0], [0], [1], [0, 0, 1, 1], [], []>, transpose_lhs_hint = false} : vector<1000x128xf32>, vector<128x384xf32>, vector<1000x384xf32> -> vector<1000x384xf32>
    %get3A_28 = arith.constant 0 : index
    %get3A_29 = arith.constant 0 : index
    %get3A_30 = vector.load %arg8[%get3A_28, %get3A_29] : memref<1x384xf32, #tpu.memory_space<vmem>>, vector<1x384xf32>
    %add3A_31 = vector.broadcast %get3A_30 : vector<1x384xf32> to vector<1000x384xf32>
    %add3A_32 = arith.addf %dot_general3A_27, %add3A_31 : vector<1000x384xf32>
    %get3A_33 = arith.constant 0 : index
    %get3A_34 = arith.constant 0 : index
    %get3A_35 = vector.load %arg6[%get3A_33, %get3A_34] : memref<128x384xf32, #tpu.memory_space<vmem>>, vector<128x384xf32>
    %dot_general3A_36 = arith.constant dense<0.000000e+00> : vector<1000x384xf32>
    %dot_general3A_37 = tpu.matmul %get3A_7, %get3A_35, %dot_general3A_36 {dimension_numbers = #tpu.dot_dimension_numbers<[1], [0], [0], [1], [0, 0, 1, 1], [], []>, transpose_lhs_hint = false} : vector<1000x128xf32>, vector<128x384xf32>, vector<1000x384xf32> -> vector<1000x384xf32>
    %get3A_38 = arith.constant 0 : index
    %get3A_39 = arith.constant 0 : index
    %get3A_40 = vector.load %arg9[%get3A_38, %get3A_39] : memref<1x384xf32, #tpu.memory_space<vmem>>, vector<1x384xf32>
    %add3A_41 = vector.broadcast %get3A_40 : vector<1x384xf32> to vector<1000x384xf32>
    %add3A_42 = arith.addf %dot_general3A_37, %add3A_41 : vector<1000x384xf32>
    %slice3A = vector.extract_strided_slice %add3A_32 {offsets = [0, 0], sizes = [1000, 128], strides = [1, 1]} : vector<1000x384xf32> to vector<1000x128xf32>
    %slice3A_43 = vector.extract_strided_slice %add3A_42 {offsets = [0, 0], sizes = [1000, 128], strides = [1, 1]} : vector<1000x384xf32> to vector<1000x128xf32>
    %add3A_44 = arith.addf %slice3A, %slice3A_43 : vector<1000x128xf32>
    %logistic3A = arith.negf %add3A_44 : vector<1000x128xf32>
    %logistic3A_45 = math.exp %logistic3A : vector<1000x128xf32>
    %logistic3A_46 = arith.constant 1.000000e+00 : f32
    %logistic3A_47 = vector.broadcast %logistic3A_46 : f32 to vector<1000x128xf32>
    %logistic3A_48 = arith.addf %logistic3A_47, %logistic3A_45 : vector<1000x128xf32>
    %logistic3A_49 = arith.divf %logistic3A_47, %logistic3A_48 : vector<1000x128xf32>
    %slice3A_50 = vector.extract_strided_slice %add3A_32 {offsets = [0, 128], sizes = [1000, 128], strides = [1, 1]} : vector<1000x384xf32> to vector<1000x128xf32>
    %slice3A_51 = vector.extract_strided_slice %add3A_42 {offsets = [0, 128], sizes = [1000, 128], strides = [1, 1]} : vector<1000x384xf32> to vector<1000x128xf32>
    %add3A_52 = arith.addf %slice3A_50, %slice3A_51 : vector<1000x128xf32>
    %logistic3A_53 = arith.negf %add3A_52 : vector<1000x128xf32>
    %logistic3A_54 = math.exp %logistic3A_53 : vector<1000x128xf32>
    %logistic3A_55 = arith.constant 1.000000e+00 : f32
    %logistic3A_56 = vector.broadcast %logistic3A_55 : f32 to vector<1000x128xf32>
    %logistic3A_57 = arith.addf %logistic3A_56, %logistic3A_54 : vector<1000x128xf32>
    %logistic3A_58 = arith.divf %logistic3A_56, %logistic3A_57 : vector<1000x128xf32>
    %slice3A_59 = vector.extract_strided_slice %add3A_32 {offsets = [0, 256], sizes = [1000, 128], strides = [1, 1]} : vector<1000x384xf32> to vector<1000x128xf32>
    %slice3A_60 = vector.extract_strided_slice %add3A_42 {offsets = [0, 256], sizes = [1000, 128], strides = [1, 1]} : vector<1000x384xf32> to vector<1000x128xf32>
    %mul3A = arith.mulf %logistic3A_49, %slice3A_60 : vector<1000x128xf32>
    %add3A_61 = arith.addf %slice3A_59, %mul3A : vector<1000x128xf32>
    %tanh3A = math.tanh %add3A_61 : vector<1000x128xf32>
    %sub3A_62 = arith.constant 1.000000e+00 : f32
    %sub3A_63 = vector.broadcast %sub3A_62 : f32 to vector<1000x128xf32>
    %sub3A_64 = arith.subf %sub3A_63, %logistic3A_58 : vector<1000x128xf32>
    %mul3A_65 = arith.mulf %sub3A_64, %tanh3A : vector<1000x128xf32>
    %mul3A_66 = arith.mulf %logistic3A_58, %get3A_7 : vector<1000x128xf32>
    %add3A_67 = arith.addf %mul3A_65, %mul3A_66 : vector<1000x128xf32>
    %max3A = arith.constant 0.000000e+00 : f32
    %max3A_68 = vector.broadcast %max3A : f32 to vector<1000x128xf32>
    %max3A_69 = arith.maximumf %add3A_67, %max3A_68 : vector<1000x128xf32>
    %reduce_sum3A = arith.constant dense<0.000000e+00> : vector<1000xf32>
    %reduce_sum3A_70 = vector.multi_reduction <add>, %max3A_69, %reduce_sum3A [1] : vector<1000x128xf32> to vector<1000xf32>
    %broadcast_in_dim3A = vector.shape_cast %reduce_sum3A_70 : vector<1000xf32> to vector<1000x1xf32>
    %div3A = arith.constant 1.280000e+02 : f32
    %div3A_71 = vector.broadcast %div3A : f32 to vector<1000x1xf32>
    %div3A_72 = arith.divf %broadcast_in_dim3A, %div3A_71 : vector<1000x1xf32>
    %sub3A_73 = vector.broadcast %div3A_72 : vector<1000x1xf32> to vector<1000x128xf32>
    %sub3A_74 = arith.subf %max3A_69, %sub3A_73 : vector<1000x128xf32>
    %mul3A_75 = arith.mulf %sub3A_74, %sub3A_74 : vector<1000x128xf32>
    %reduce_sum3A_76 = arith.constant dense<0.000000e+00> : vector<1000xf32>
    %reduce_sum3A_77 = vector.multi_reduction <add>, %mul3A_75, %reduce_sum3A_76 [1] : vector<1000x128xf32> to vector<1000xf32>
    %broadcast_in_dim3A_78 = vector.shape_cast %reduce_sum3A_77 : vector<1000xf32> to vector<1000x1xf32>
    %div3A_79 = arith.constant 1.280000e+02 : f32
    %div3A_80 = vector.broadcast %div3A_79 : f32 to vector<1000x1xf32>
    %div3A_81 = arith.divf %broadcast_in_dim3A_78, %div3A_80 : vector<1000x1xf32>
    %get3A_82 = arith.constant 0 : index
    %get3A_83 = arith.constant 0 : index
    %get3A_84 = vector.load %arg10[%get3A_82, %get3A_83] : memref<1x128xf32, #tpu.memory_space<vmem>>, vector<1x128xf32>
    %mul3A_85 = vector.broadcast %get3A_84 : vector<1x128xf32> to vector<1000x128xf32>
    %mul3A_86 = arith.mulf %mul3A_85, %sub3A_74 : vector<1000x128xf32>
    %add3A_87 = arith.constant 9.99999974E-6 : f32
    %add3A_88 = vector.broadcast %add3A_87 : f32 to vector<1000x1xf32>
    %add3A_89 = arith.addf %div3A_81, %add3A_88 : vector<1000x1xf32>
    %rsqrt3A = math.rsqrt %add3A_89 : vector<1000x1xf32>
    %mul3A_90 = vector.broadcast %rsqrt3A : vector<1000x1xf32> to vector<1000x128xf32>
    %mul3A_91 = arith.mulf %mul3A_86, %mul3A_90 : vector<1000x128xf32>
    %get3A_92 = arith.constant 0 : index
    %get3A_93 = arith.constant 0 : index
    %get3A_94 = vector.load %arg11[%get3A_92, %get3A_93] : memref<1x128xf32, #tpu.memory_space<vmem>>, vector<1x128xf32>
    %add3A_95 = vector.broadcast %get3A_94 : vector<1x128xf32> to vector<1000x128xf32>
    %add3A_96 = arith.addf %mul3A_91, %add3A_95 : vector<1000x128xf32>
    %swap3A = arith.constant 0 : index
    %swap3A_97 = arith.constant 0 : index
    %swap3A_98 = vector.load %arg12[%swap3A, %swap3A_97] : memref<1000x128xf32, #tpu.memory_space<vmem>>, vector<1000x128xf32>
    tpu.vector_store %arg12[%swap3A, %swap3A_97], %add3A_96 {strides = array<i32>} : memref<1000x128xf32, #tpu.memory_space<vmem>>, vector<1000x128xf32>,
    return
  }
  func.func @transform_0(%arg0: i32) -> (i32, i32) {
    %c0_i32 = arith.constant 0 : i32
    %c0_i32_0 = arith.constant 0 : i32
    return %arg0, %c0_i32 : i32, i32
  }
  func.func @transform_1(%arg0: i32) -> (i32, i32) {
    %c0_i32 = arith.constant 0 : i32
    %c0_i32_0 = arith.constant 0 : i32
    return %arg0, %c0_i32 : i32, i32
  }
  func.func @transform_2(%arg0: i32) -> (i32, i32) {
    %c0_i32 = arith.constant 0 : i32
    %c0_i32_0 = arith.constant 0 : i32
    return %arg0, %c0_i32 : i32, i32
  }
  func.func @transform_3(%arg0: i32) -> (i32, i32) {
    %c0_i32 = arith.constant 0 : i32
    %c0_i32_0 = arith.constant 0 : i32
    %c0_i32_1 = arith.constant 0 : i32
    return %c0_i32, %c0_i32_0 : i32, i32
  }
  func.func @transform_4(%arg0: i32) -> (i32, i32) {
    %c0_i32 = arith.constant 0 : i32
    %c0_i32_0 = arith.constant 0 : i32
    %c0_i32_1 = arith.constant 0 : i32
    return %c0_i32, %c0_i32_0 : i32, i32
  }
  func.func @transform_5(%arg0: i32) -> (i32, i32) {
    %c0_i32 = arith.constant 0 : i32
    %c0_i32_0 = arith.constant 0 : i32
    %c0_i32_1 = arith.constant 0 : i32
    return %c0_i32, %c0_i32_0 : i32, i32
  }
  func.func @transform_6(%arg0: i32) -> (i32, i32) {
    %c0_i32 = arith.constant 0 : i32
    %c0_i32_0 = arith.constant 0 : i32
    %c0_i32_1 = arith.constant 0 : i32
    return %c0_i32, %c0_i32_0 : i32, i32
  }
  func.func @transform_7(%arg0: i32) -> (i32, i32) {
    %c0_i32 = arith.constant 0 : i32
    %c0_i32_0 = arith.constant 0 : i32
    %c0_i32_1 = arith.constant 0 : i32
    return %c0_i32, %c0_i32_0 : i32, i32
  }
  func.func @transform_8(%arg0: i32) -> (i32, i32) {
    %c0_i32 = arith.constant 0 : i32
    %c0_i32_0 = arith.constant 0 : i32
    %c0_i32_1 = arith.constant 0 : i32
    return %c0_i32, %c0_i32_0 : i32, i32
  }
  func.func @transform_9(%arg0: i32) -> (i32, i32) {
    %c0_i32 = arith.constant 0 : i32
    %c0_i32_0 = arith.constant 0 : i32
    %c0_i32_1 = arith.constant 0 : i32
    return %c0_i32, %c0_i32_0 : i32, i32
  }
  func.func @transform_10(%arg0: i32) -> (i32, i32) {
    %c0_i32 = arith.constant 0 : i32
    %c0_i32_0 = arith.constant 0 : i32
    %c0_i32_1 = arith.constant 0 : i32
    return %c0_i32, %c0_i32_0 : i32, i32
  }
  func.func @transform_11(%arg0: i32) -> (i32, i32) {
    %c0_i32 = arith.constant 0 : i32
    %c0_i32_0 = arith.constant 0 : i32
    return %arg0, %c0_i32 : i32, i32
  }
}

</mosaic_0001>

<sc_bundles>
// kernel: kernel.4.cloned.1.call-start
scs
__scs_entry_jumppad:
0x0: {  	(pc) =	sbr.rel $0x88, $3  }
0x1: {  	(tag) =	ssettag $0x0;
	lr =	simm.s32 $0x1  }
0x2: {  	[smem:$0x3F97] =	sst lr;
	_ =	strace $0xD0000000  }
0x3: {  	_ = 	snop  }
0x4: {  	_ = 	snop  }
0x5: {  	_ = 	snop  }
0x6: {  	_ = 	snop  }
0x7: {  	_ = 	snop  }
__scs_overlays_trampoline_lowered:
0x8: {  	[smem:$0x3FA6] =	sst s0  }
0x9: {  	[smem:$0x3FA7] =	sst s1  }
0xa: {  	[smem:$0x3FA8] =	sst s2  }
0xb: {  	[smem:$0x3FA9] =	sst s3  }
0xc: {  	[smem:$0x3FAA] =	sst s4  }
0xd: {  	[smem:$0x3FAB] =	sst s5  }
0xe: {  	[smem:$0x3FAC] =	sst s6  }
0xf: {  	[smem:$0x3FAD] =	sst s7  }
0x10: {  	[smem:$0x3FAE] =	sst s8  }
0x11: {  	[smem:$0x3FAF] =	sst s9;
	s0 =	simm.s32 @!p0 $0x0  }
0x12: {  	s1 =	sld [smem:$0x3F95];
	s0 =	simm.s32 @p0 $0x1  }
0x13: {  	[smem:$0x3FB0] =	sst s0;
	s0 =	simm.s32 @!p1 $0x0  }
0x14: {  	s2 =	sld [smem:$0x3F94];
	s0 =	simm.s32 @p1 $0x1  }
0x15: {  	[smem:$0x3FB1] =	sst s0;
	s0 =	simm.s32 @!p2 $0x0  }
0x16: {  	s3 =	sld [smem:$0x3FDB];
	s0 =	simm.s32 @p2 $0x1  }
0x17: {  	s4 =	simm.s32 $0x1BF5;
	[smem:$0x3FB3] =	sst s0  }
0x18: {  	s0 =	sld [smem:$0x3F96];
	_ =	swait.ge [sflag:s4], $0x0  }
0x19: {  	s7 =	sld [smem:$0x3F97]  }
0x1a: {  	s8 =	sadd.s32 $0xFFFFE003, lr  }
0x1b: {  	s9 =	sadd.s32 $0xFFFFFEF7, lr;
	s5 =	simm.s32 $0xFFFFFFFF;
	p2 =	slt.u32 s8, $0xFFFFF086  }
0x1c: {  	p1 =	slt.u32 s9, $0xF7A;
	s5 =	simm.s32 @!p2 $0x0  }
0x1d: {  	s5 =	simm.s32 @p1 $0x1;
	p0 =	seq.s32 s7, s2  }
0x1e: {  	s7 =	smul.u32 @!p0 $0xF7A, s2;
	p2 =	seq.s32 @!p0 s5, $0x0  }
0x1f: {  	s9 =	smul.u32 $0xF7A, s1;
	s8 =	simm.s32 @!p0 $0x1BF5;
	p2 =	por !p2, p0  }
0x20: {  	[sflag:s8] =	ssyncset.s32 @!p0 $0xFFFFF086;
	s6 =	sadd.s32 @!p0 s3, s7;
	s7 =	simm.s32 @!p0 $0x108  }
0x21: {  	s3 =	sadd.s32 s3, s9;
	s6 =	sadd.s32 @!p0 $0x88, s6;
	s7 =	simm.s32 @p2 $0x1082  }
0x22: {  	[simem:s7], [sflag:s8] =	dma.local @!p0 [hbm:s6], $0xF7A  }
0x23: {  	s9 =	sor.u32 $0xD0000000, s2;
	s6 =	simm.s32 $0x108;
	_ =	swait.ge @!p0 [sflag:s8], $0x0  }
0x24: {  	s3 =	sadd.s32 $0x88, s3;
	s6 =	simm.s32 @!p1 $0x1082;
	[sflag:s4] =	ssyncset.s32 $0xFFFFF086  }
0x25: {  	[simem:s6], [sflag:s4] =	dma.local [hbm:s3], $0xF7A  }
0x26: {  	[smem:$0x3F97] =	sst s1;
	(tag) =	ssettag s2;
	_ =	strace s9  }
0x27: {  	s1 =	sld [smem:$0x3FA7]  }
0x28: {  	s2 =	sld [smem:$0x3FA8]  }
0x29: {  	s4 =	sld [smem:$0x3FAA]  }
0x2a: {  	p0 =	seq.s32 s5, $0x0;
	s5 =	sld [smem:$0x3FAB]  }
0x2b: {  	s6 =	sld [smem:$0x3FAC]  }
0x2c: {  	s7 =	sld [smem:$0x3FAD]  }
0x2d: {  	s3 =	simm.s32 $0x108;
	s8 =	sld [smem:$0x3FAE]  }
0x2e: {  	s3 =	simm.s32 @!p0 $0x1082;
	s9 =	sld [smem:$0x3FAF]  }
0x2f: {  	lr =	sadd.s32 s0, s3;
	s0 =	sld [smem:$0x3FA6]  }
0x30: {  	s3 =	sld [smem:$0x3FA9]  }
0x31: {  	[smem:$0x3FB2] =	sst s10  }
0x32: {  	s10 =	sld [smem:$0x3FB0];
	_ =	sdelay $0x3  }
0x33: {  	p0 =	seq.s32 s10, $0x1;
	s10 =	sld [smem:$0x3FB2];
	_ =	sdelay $0x3  }
0x34: {  	[smem:$0x3FB2] =	sst s10  }
0x35: {  	s10 =	sld [smem:$0x3FB1];
	_ =	sdelay $0x3  }
0x36: {  	p1 =	seq.s32 s10, $0x1;
	s10 =	sld [smem:$0x3FB2];
	_ =	sdelay $0x3  }
0x37: {  	[smem:$0x3FB2] =	sst s10  }
0x38: {  	s10 =	sld [smem:$0x3FB3]  }
0x39: {  	_ = 	snop;
	(pc) =	sbr.ind lr, $3  }
0x3a: {  	_ = 	snop  }
0x3b: {  	_ = 	snop  }
0x3c: {  	p2 =	seq.s32 s10, $0x1;
	s10 =	sld [smem:$0x3FB2]  }
0x3d: {  	_ =	shalt  }
0x3e: {  	_ =	shalt  }
0x3f: {  	_ =	shalt  }
0x40: {  	_ =	shalt  }
0x41: {  	_ =	shalt  }
0x42: {  	_ =	shalt  }
0x43: {  	_ =	shalt  }
0x44: {  	_ =	shalt  }
0x45: {  	_ =	shalt  }
0x46: {  	_ =	shalt  }
0x47: {  	_ =	shalt  }
0x48: {  	_ =	shalt  }
0x49: {  	_ =	shalt  }
0x4a: {  	_ =	shalt  }
0x4b: {  	_ =	shalt  }
0x4c: {  	_ =	shalt  }
0x4d: {  	_ =	shalt  }
0x4e: {  	_ =	shalt  }
0x4f: {  	_ =	shalt  }
0x50: {  	_ =	shalt  }
0x51: {  	_ =	shalt  }
0x52: {  	_ =	shalt  }
0x53: {  	_ =	shalt  }
0x54: {  	_ =	shalt  }
0x55: {  	_ =	shalt  }
0x56: {  	_ =	shalt  }
0x57: {  	_ =	shalt  }
0x58: {  	_ =	shalt  }
0x59: {  	_ =	shalt  }
0x5a: {  	_ =	shalt  }
0x5b: {  	_ =	shalt  }
0x5c: {  	_ =	shalt  }
0x5d: {  	_ =	shalt  }
0x5e: {  	_ =	shalt  }
0x5f: {  	_ =	shalt  }
0x60: {  	_ =	shalt  }
0x61: {  	_ =	shalt  }
0x62: {  	_ =	shalt  }
0x63: {  	_ =	shalt  }
0x64: {  	_ =	shalt  }
0x65: {  	_ =	shalt  }
0x66: {  	_ =	shalt  }
0x67: {  	_ =	shalt  }
0x68: {  	_ =	shalt  }
0x69: {  	_ =	shalt  }
0x6a: {  	_ =	shalt  }
0x6b: {  	_ =	shalt  }
0x6c: {  	_ =	shalt  }
0x6d: {  	_ =	shalt  }
0x6e: {  	_ =	shalt  }
0x6f: {  	_ =	shalt  }
0x70: {  	_ =	shalt  }
0x71: {  	_ =	shalt  }
0x72: {  	_ =	shalt  }
0x73: {  	_ =	shalt  }
0x74: {  	_ =	shalt  }
0x75: {  	_ =	shalt  }
0x76: {  	_ =	shalt  }
0x77: {  	_ =	shalt  }
0x78: {  	_ =	shalt  }
0x79: {  	_ =	shalt  }
0x7a: {  	_ =	shalt  }
0x7b: {  	_ =	shalt  }
0x7c: {  	_ =	shalt  }
0x7d: {  	_ =	shalt  }
0x7e: {  	_ =	shalt  }
0x7f: {  	_ =	shalt  }
0x80: {  	_ =	shalt  }
0x81: {  	_ =	shalt  }
0x82: {  	_ =	shalt  }
0x83: {  	_ =	shalt  }
0x84: {  	_ =	shalt  }
0x85: {  	_ =	shalt  }
0x86: {  	_ =	shalt  }
0x87: {  	_ =	shalt  }
.Lfunc_end0:
.L_simem_size_0:
called_computation_lowered:
.L_overlay_start_0:
0x88: {  	s2 =	sld [smem:$0x3FD9]  }
0x89: {  	s3 =	sld [smem:$0x3FFE];
	_ =	sdelay $0x1  }
0x8a: {  	s1 =	srdreg.scid  }
0x8b: {  	s0 =	sand.u32 $0x1, s1  }
0x8c: {  	s17 =	sshll.u32 s0, $0xA;
	s2 =	sadd.s32 s3, s2  }
0x8d: {  	s2 =	sadd.s32 s2, s17  }
0x8e: {  	[smem:$0x3FBE] =	sst s2  }
0x8f: {  	_ = 	snop  }
0x90: {  	s2 =	sld [smem:$0x3FC9]  }
0x91: {  	s18 =	sld [smem:$0x3FD0];
	(tm) =	ssettm $0x1  }
0x92: {  	s4 =	sld [smem:$0x3FFB];
	_ =	sdelay $0x3  }
0x93: {  	_ =	strace s4  }
0x94: {  	s4 =	sld [smem:$0x3FFC];
	_ =	sdelay $0x3  }
0x95: {  	_ =	strace s4  }
0x96: {  	s4 =	sld [smem:$0x3FFD];
	_ =	sdelay $0x3  }
0x97: {  	_ =	strace s4  }
0x98: {  	_ =	strace $0x8FFFFFFF  }
0x99: {  	s19 =	sld [smem:$0x3FDB];
	_ =	sdelay $0x1  }
0x9a: {  	s5 =	simm.s32 $_scs_section_size  }
0x9b: {  	s6 =	simm.s32 $_size__tile_overlayer_lowered;
	s7 =	simm.s32 $_tile_overlayer_lowered  }
0x9c: {  	s22 =	simm.s32 $0x1BFF;
	s21 =	sshll.u32 s7, $0x1;
	s4 =	sadd.s32 s5, s19  }
0x9d: {  	s8 =	simm.s32 $0x0;
	s20 =	sshll.u32 s6, $0x1;
	s6 =	sadd.s32 s21, s4  }
0x9e: {  	[timem:s8], [sflag:s22] =	dma.local [hbm:s6], s20  }
0x9f: {  	_ =	swait.ge [sflag:s22], s20  }
0xa0: {  	s5 =	ssub.s32 $0x0, s20;
	[sflag:s22] =	ssyncset.done $0x0  }
0xa1: {  	[sflag:s22] =	ssyncadd.s32 s5;
	_ =	sdelay $0x1  }
0xa2: {  	s23 =	simm.s32 $0x1B8B  }
0xa3: {  	_ =	swait.ge [sflag:s23], $0x1  }
0xa4: {  	[sflag:s23] =	ssyncset.done $0x0  }
0xa5: {  	s25 =	simm.s32 $0x1B8E;
	s24 =	sld [smem:$0x3FFE];
	[sflag:s23] =	ssyncadd.s32 $0xFFFFFFFF  }
0xa6: {  	s26 =	simm.s32 $execute0_lowered;
	[smem:$0x3FD2] =	sst s25  }
0xa7: {  	s6 =	sshll.u32 s26, $0x1;
	_ =	strace $0x80000046;
	[dreg:$0x1] =	wrdreg $0xFFFFFFFF  }
0xa8: {  	s28 =	simm.s32 $_size_execute0_lowered;
	s4 =	sadd.s32 s4, s6;
	[dreg:$0x0] =	wrdreg $0x0  }
0xa9: {  	s6 =	sshll.u32 s28, $0x1;
	[dreg:$0x2] =	wrdreg s4  }
0xaa: {  	[dreg:$0x3] =	wrdreg s6  }
0xab: {  	[dreg:$0x4] =	wrdreg $0xC0  }
0xac: {  	_ =	task [dreg:s8], $0x5FFFF  }
0xad: {  	[dreg:$0x1] =	wrdreg $0xFFFFFFFF  }
0xae: {  	[dreg:$0x0] =	wrdreg $0x60  }
0xaf: {  	[dreg:$0x2] =	wrdreg s18  }
0xb0: {  	[dreg:$0x3] =	wrdreg s2  }
0xb1: {  	[dreg:$0x4] =	wrdreg s24  }
0xb2: {  	[dreg:$0x5] =	wrdreg $0x90000  }
0xb3: {  	[dreg:$0x6] =	wrdreg $0x9  }
0xb4: {  	_ =	task.clear_ibuf [dreg:s8], $0x7FFFF;
	_ =	strace $0x90000046  }
0xb5: {  	s29 =	simm.s32 $0x9;
	_ =	strace $0x8000004B  }
0xb6: {  	_ =	swait.ge [sflag:s29], $0x1  }
0xb7: {  	[sflag:s29] =	ssyncadd.s32 $0xFFFFFFFF  }
0xb8: {  	_ =	strace $0x9000004B  }
0xb9: {  	_ =	sfence  }
0xba: {  	s30 =	sld [smem:$0x0];
	_ =	sdelay $0x2  }
0xbb: {  	s31 =	sshll.u32 s1, $0xD;
	s1 =	sshrl.u32 s1, $0x2  }
0xbc: {  	s3 =	sand.u32 $0x4000, s31;
	s1 =	sadd.s32 s1, s30  }
0xbd: {  	s0 =	sor.u32 s3, s0;
	s1 =	sshll.u32 s1, $0x11  }
0xbe: {  	s0 =	sor.u32 s1, s0  }
0xbf: {  	s0 =	sadd.s32 $0x8F2B, s0  }
0xc0: {  	[sflag:s0] =	ssyncadd.remote.s32 $0x1  }
0xc1: {  	_ =	sfence.sel $0xFFFF  }
0xc2: {  	[dreg:$0x0] =	wrdreg $0xFFFFFFFF;
	(pc) =	sbr.abs _section_cstart, $3  }
0xc3: {  	[dreg:$0x1] =	wrdreg $0xFFFFFFFF  }
0xc4: {  	_ =	task.clear_ibuf [dreg:s8], $0x2FFFF;
	_ =	strace $0x9FFFFFFF  }
0xc5: {  	(tm) =	ssettm $0x7FFFFFFF  }
tec
execute0_lowered:
.L_overlay_start_1:
0x0: {  	(tag) =	ssettag $0x1  }
0x1: {  	s0 =	rddreg [dreg:$0x0]  }
0x2: {  	s1 =	rddreg [dreg:$0x1]  }
0x3: {  	s2 =	rddreg [dreg:$0x2];
	s4 =	srdreg.scid  }
0x4: {  	s9 =	stileid.u32;
	s3 =	rddreg [dreg:$0x3]  }
0x5: {  	s28 =	simm.s32 $0x480;
	s29 =	simm.s32 $0xC00;
	s30 =	simm.s32 $0x500  }
0x6: {  	s31 =	simm.s32 $0xC80;
	s11 =	simm.s32 $0x680;
	s6 =	smul.u32 $0x2800, s9  }
0x7: {  	s12 =	simm.s32 $0xE00;
	s5 =	sand.u32 $0x1, s4;
	s8 =	smul.u32 $0x50000, s9  }
0x8: {  	s4 =	simm.s32 $0x0;
	s16 =	smul.u32 $0x5000, s9;
	s9 =	sshll.u32 s9, $0x1  }
0x9: {  	s22 =	sadd.s32 $0x9C00, s0;
	s23 =	sadd.s32 $0x13880, s0;
	s7 =	smul.u32 $0x28000, s5  }
0xa: {  	[smem:$0x7FF] =	sst s4;
	s13 =	ssub.s32 $0x2, s5;
	s17 =	smul.u32 $0x2800, s5  }
0xb: {  	s5 =	sor.u32 s5, s9;
	_ =	strace $0x80000047;
	[dreg:$0xa] =	wrdreg s22  }
0xc: {  	s14 =	sshrl.u32 s13, $0x1;
	s15 =	sshrl.u32 s8, $0x2;
	[dreg:$0xb] =	wrdreg s23  }
0xd: {  	p0 =	seq.s32 s5, $0x1F;
	s23 =	simm.s32 $0x2;
	p1 =	sne.s32 s5, $0x1F  }
0xe: {  	s22 =	simm.s32 $0xF80;
	s6 =	sadd.s32 s6, s7;
	s10 =	sadd.s32 s15, s3  }
0xf: {  	s7 =	sadd.s32 s17, s16;
	s16 =	simm.s32 $0x1000;
	s17 =	simm.s32 $0x3  }
0x10: {  	s15 =	simm.s32 $0x800;
	s2 =	sadd.s32 s6, s2;
	s6 =	ssub.s32 s13, s14  }
0x11: {  	s18 =	sadd.s32 $0x4000, s10;
	s19 =	sadd.s32 $0x8000, s10;
	[dreg:$0x5] =	wrdreg s10  }
0x12: {  	s20 =	sadd.s32 $0xC000, s10;
	s21 =	sadd.s32 $0x10000, s10;
	[dreg:$0x6] =	wrdreg s18  }
0x13: {  	s24 =	sadd.s32 $0x4E400, s7;
	s25 =	sshrl.u32 s7, $0x3;
	[dreg:$0x7] =	wrdreg s19  }
0x14: {  	s10 =	simm.s32 $0xD80;
	s13 =	simm.s32 $0x700;
	[dreg:$0x8] =	wrdreg s20  }
0x15: {  	s14 =	simm.s32 $0xE80;
	[dreg:$0x9] =	wrdreg s21;
	s2 =	sadd.s32 $0x1E00, s2  }
0x16: {  	s26 =	sshrl.u32 s24, $0x3;
	s6 =	smax.u32 s6, $0x1;
	s19 =	simm.s32 $0x80  }
0x17: {  	s20 =	simm.s32 $0x5000;
	s21 =	simm.s32 $0x1;
	[dreg:$0xc] =	wrdreg s2  }
0x18: {  	s18 =	simm.s32 $0x780;
	[dreg:$0xd] =	wrdreg s6;
	s2 =	sadd.s32 s25, s0  }
0x19: {  	s0 =	sadd.s32 s26, s0;
	s25 =	simm.s32 $0x400;
	[dreg:$0xe] =	wrdreg s2  }
0x1a: {  	v0 =	vimm.f32 $0.0e+00;
	s26 =	simm.s32 $0xB80;
	[dreg:$0xf] =	wrdreg s0;
	s2 =	simm.s32 $0x0  }
.LBB2_1:
0x1b: {  	[dreg:$0x10] =	wrdreg s2;
	s0 =	sand.u32 $0xFE00, s4  }
0x1c: {  	s24 =	sand.u32 $0x70, s4;
	s2 =	simm.s32 $0x0;
	s6 =	sshrl.u32 s0, $0x2  }
0x1d: {  	_ =	strace $0x80000048;
	s0 =	simm.s32 $0x40;
	s6 =	sor.u32 s24, s6  }
.LBB2_2:
0x1e: {  	p2 =	sne.s32 s0, $0xFFC0  }
0x1f: {  	[tilespmem:s6+$0x1000] =	vst v0;
	s2 =	sadd.s32 $0x10, s2;
	s6 =	smov.u32 s0;
	s0 =	sadd.s32 $0x40, s0  }
.Ltmp0:
0x20: {  	(pc) =	sbr.rel @p2 .LBB2_2-.Ltmp0, $4  }
0x21: {  	_ = 	snop  }
0x22: {  	s6 =	sand.u32 $0xFE00, s6  }
0x23: {  	s7 =	sand.u32 $0x70, s2;
	s6 =	sshrl.u32 s6, $0x2  }
0x24: {  	s6 =	sor.u32 s7, s6  }
0x25: {  	[tilespmem:s6+$0x1000] =	vst v0;
	s0 =	rddreg [dreg:$0x5]  }
0x26: {  	[spmem:s0] =	stream.linear.scatter [tilespmem:s16], [sflag:$0x3], $0x4000, $0x200038;
	[tilespmem:$0x1D000] =	vst v63  }
0x27: {  	_ =	swait.ge [sflag:s17], $0x4000  }
0x28: {  	[sflag:s17] =	ssyncset.done $0x0  }
0x29: {  	s7 =	rddreg [dreg:$0x6];
	[sflag:s17] =	ssyncadd.s32 $0xFFFFC000  }
0x2a: {  	[spmem:s7] =	stream.linear.scatter [tilespmem:s16], [sflag:$0x3], $0x4000, $0x200038;
	[tilespmem:$0x1D000] =	vst v63  }
0x2b: {  	_ =	swait.ge [sflag:s17], $0x4000  }
0x2c: {  	[sflag:s17] =	ssyncset.done $0x0  }
0x2d: {  	s8 =	rddreg [dreg:$0x7];
	[sflag:s17] =	ssyncadd.s32 $0xFFFFC000  }
0x2e: {  	[spmem:s8] =	stream.linear.scatter [tilespmem:s16], [sflag:$0x3], $0x4000, $0x200038;
	[tilespmem:$0x1D000] =	vst v63  }
0x2f: {  	_ =	swait.ge [sflag:s17], $0x4000  }
0x30: {  	[sflag:s17] =	ssyncset.done $0x0  }
0x31: {  	s9 =	rddreg [dreg:$0x8];
	[sflag:s17] =	ssyncadd.s32 $0xFFFFC000  }
0x32: {  	[spmem:s9] =	stream.linear.scatter [tilespmem:s16], [sflag:$0x3], $0x4000, $0x200038;
	[tilespmem:$0x1D000] =	vst v63  }
0x33: {  	_ =	swait.ge [sflag:s17], $0x4000  }
0x34: {  	[sflag:s17] =	ssyncset.done $0x0  }
0x35: {  	s24 =	rddreg [dreg:$0x9];
	[sflag:s17] =	ssyncadd.s32 $0xFFFFC000  }
0x36: {  	[spmem:s24] =	stream.linear.scatter [tilespmem:s16], [sflag:$0x3], $0x4000, $0x200038;
	[tilespmem:$0x1D000] =	vst v63  }
0x37: {  	_ =	swait.ge [sflag:s17], $0x4000  }
0x38: {  	[sflag:s17] =	ssyncset.done $0x0  }
0x39: {  	[sflag:s17] =	ssyncadd.s32 $0xFFFFC000  }
0x3a: {  	[bflag:$0x0] =	sbarrier.arrive $0xFFFF  }
0x3b: {  	_ =	strace $0x90000048  }
0x3c: {  	s6 =	simm.s32 $0x0;
	_ =	strace $0x80000049  }
0x3d: {  	s5 =	simm.s32 $0xF00;
	s7 =	simm.s32 $0x580;
	s2 =	rddreg [dreg:$0xf]  }
0x3e: {  	s8 =	simm.s32 $0xD00;
	s9 =	simm.s32 $0x600;
	s0 =	rddreg [dreg:$0xe]  }
.LBB2_4:
0x3f: {  	[tilespmem:s4], [sflag:$0x3] =	stream.linear.gather [hbm4b:s0+s4], $0x800, $0x200038;
	[tilespmem:$0x1D000] =	vst v63  }
0x40: {  	_ =	swait.ge [sflag:s17], $0x800  }
0x41: {  	[sflag:s17] =	ssyncset.done $0x0  }
0x42: {  	[sflag:s17] =	ssyncadd.s32 $0xFFFFF800  }
0x43: {  	[tilespmem:s15], [sflag:$0x3] =	stream.linear.gather [hbm4b:s2+s4], $0x800, $0x200038;
	[tilespmem:$0x1D000] =	vst v63  }
0x44: {  	_ =	swait.ge [sflag:s17], $0x800  }
0x45: {  	[sflag:s17] =	ssyncset.done $0x0  }
0x46: {  	[sflag:s17] =	ssyncadd.s32 $0xFFFFF800  }
0x47: {  	[tilespmem:s16], [sflag:$0x1] =	stream.indirect.gather [hbm4b:s1+s19], $0x80, s4, s19, $0x2000b8;
	[tilespmem:$0x1D000] =	vst v63  }
0x48: {  	_ = 	snop  }
0x49: {  	[tilespmem:s20], [sflag:$0x2] =	stream.indirect.gather [hbm4b:s1+s19], $0x80, s19, s19, $0x2000b8;
	[tilespmem:$0x1D000] =	vst v63  }
0x4a: {  	_ =	swait.ge [sflag:s21], $0x4000  }
0x4b: {  	[sflag:s21] =	ssyncset.done $0x0  }
0x4c: {  	[sflag:s21] =	ssyncadd.s32 $0xFFFFC000  }
0x4d: {  	[spmem:s3] =	stream.indirect.scatter.add.f32 [tilespmem:s16], [sflag:$0x3], $0x80, s15, s19, $0x2000b8;
	[tilespmem:$0x1D000] =	vst v63  }
0x4e: {  	_ =	swait.ge [sflag:s17], $0x4000  }
0x4f: {  	[sflag:s17] =	ssyncset.done $0x0  }
0x50: {  	s24 =	simm.s32 $0x100;
	[sflag:s17] =	ssyncadd.s32 $0xFFFFC000  }
0x51: {  	[tilespmem:s16], [sflag:$0x1] =	stream.indirect.gather [hbm4b:s1+s19], $0x80, s24, s19, $0x2000b8;
	[tilespmem:$0x1D000] =	vst v63  }
0x52: {  	_ =	swait.ge [sflag:s23], $0x4000  }
0x53: {  	[sflag:s23] =	ssyncset.done $0x0  }
0x54: {  	s24 =	simm.s32 $0x880;
	[sflag:s23] =	ssyncadd.s32 $0xFFFFC000  }
0x55: {  	[spmem:s3] =	stream.indirect.scatter.add.f32 [tilespmem:s20], [sflag:$0x3], $0x80, s24, s19, $0x2000b8;
	[tilespmem:$0x1D000] =	vst v63  }
0x56: {  	_ =	swait.ge [sflag:s17], $0x4000  }
0x57: {  	[sflag:s17] =	ssyncset.done $0x0  }
0x58: {  	s24 =	simm.s32 $0x180;
	[sflag:s17] =	ssyncadd.s32 $0xFFFFC000  }
0x59: {  	[tilespmem:s20], [sflag:$0x2] =	stream.indirect.gather [hbm4b:s1+s19], $0x80, s24, s19, $0x2000b8;
	[tilespmem:$0x1D000] =	vst v63  }
0x5a: {  	_ =	swait.ge [sflag:s21], $0x4000  }
0x5b: {  	[sflag:s21] =	ssyncset.done $0x0  }
0x5c: {  	s24 =	simm.s32 $0x900;
	[sflag:s21] =	ssyncadd.s32 $0xFFFFC000  }
0x5d: {  	[spmem:s3] =	stream.indirect.scatter.add.f32 [tilespmem:s16], [sflag:$0x3], $0x80, s24, s19, $0x2000b8;
	[tilespmem:$0x1D000] =	vst v63  }
0x5e: {  	_ =	swait.ge [sflag:s17], $0x4000  }
0x5f: {  	[sflag:s17] =	ssyncset.done $0x0  }
0x60: {  	s24 =	simm.s32 $0x200;
	[sflag:s17] =	ssyncadd.s32 $0xFFFFC000  }
0x61: {  	[tilespmem:s16], [sflag:$0x1] =	stream.indirect.gather [hbm4b:s1+s19], $0x80, s24, s19, $0x2000b8;
	[tilespmem:$0x1D000] =	vst v63  }
0x62: {  	_ =	swait.ge [sflag:s23], $0x4000  }
0x63: {  	[sflag:s23] =	ssyncset.done $0x0  }
0x64: {  	s24 =	simm.s32 $0x980;
	[sflag:s23] =	ssyncadd.s32 $0xFFFFC000  }
0x65: {  	[spmem:s3] =	stream.indirect.scatter.add.f32 [tilespmem:s20], [sflag:$0x3], $0x80, s24, s19, $0x2000b8;
	[tilespmem:$0x1D000] =	vst v63  }
0x66: {  	_ =	swait.ge [sflag:s17], $0x4000  }
0x67: {  	[sflag:s17] =	ssyncset.done $0x0  }
0x68: {  	s24 =	simm.s32 $0x280;
	[sflag:s17] =	ssyncadd.s32 $0xFFFFC000  }
0x69: {  	[tilespmem:s20], [sflag:$0x2] =	stream.indirect.gather [hbm4b:s1+s19], $0x80, s24, s19, $0x2000b8;
	[tilespmem:$0x1D000] =	vst v63  }
0x6a: {  	_ =	swait.ge [sflag:s21], $0x4000  }
0x6b: {  	[sflag:s21] =	ssyncset.done $0x0  }
0x6c: {  	s24 =	simm.s32 $0xA00;
	[sflag:s21] =	ssyncadd.s32 $0xFFFFC000  }
0x6d: {  	[spmem:s3] =	stream.indirect.scatter.add.f32 [tilespmem:s16], [sflag:$0x3], $0x80, s24, s19, $0x2000b8;
	[tilespmem:$0x1D000] =	vst v63  }
0x6e: {  	_ =	swait.ge [sflag:s17], $0x4000  }
0x6f: {  	[sflag:s17] =	ssyncset.done $0x0  }
0x70: {  	s24 =	simm.s32 $0x300;
	[sflag:s17] =	ssyncadd.s32 $0xFFFFC000  }
0x71: {  	[tilespmem:s16], [sflag:$0x1] =	stream.indirect.gather [hbm4b:s1+s19], $0x80, s24, s19, $0x2000b8;
	[tilespmem:$0x1D000] =	vst v63  }
0x72: {  	_ =	swait.ge [sflag:s23], $0x4000  }
0x73: {  	[sflag:s23] =	ssyncset.done $0x0  }
0x74: {  	s24 =	simm.s32 $0xA80;
	[sflag:s23] =	ssyncadd.s32 $0xFFFFC000  }
0x75: {  	[spmem:s3] =	stream.indirect.scatter.add.f32 [tilespmem:s20], [sflag:$0x3], $0x80, s24, s19, $0x2000b8;
	[tilespmem:$0x1D000] =	vst v63  }
0x76: {  	_ =	swait.ge [sflag:s17], $0x4000  }
0x77: {  	[sflag:s17] =	ssyncset.done $0x0  }
0x78: {  	s24 =	simm.s32 $0x380;
	[sflag:s17] =	ssyncadd.s32 $0xFFFFC000  }
0x79: {  	[tilespmem:s20], [sflag:$0x2] =	stream.indirect.gather [hbm4b:s1+s19], $0x80, s24, s19, $0x2000b8;
	[tilespmem:$0x1D000] =	vst v63  }
0x7a: {  	_ =	swait.ge [sflag:s21], $0x4000  }
0x7b: {  	[sflag:s21] =	ssyncset.done $0x0  }
0x7c: {  	s24 =	simm.s32 $0xB00;
	[sflag:s21] =	ssyncadd.s32 $0xFFFFC000  }
0x7d: {  	[spmem:s3] =	stream.indirect.scatter.add.f32 [tilespmem:s16], [sflag:$0x3], $0x80, s24, s19, $0x2000b8;
	[tilespmem:$0x1D000] =	vst v63  }
0x7e: {  	_ =	swait.ge [sflag:s17], $0x4000  }
0x7f: {  	[sflag:s17] =	ssyncset.done $0x0  }
0x80: {  	[sflag:s17] =	ssyncadd.s32 $0xFFFFC000  }
0x81: {  	[tilespmem:s16], [sflag:$0x1] =	stream.indirect.gather [hbm4b:s1+s19], $0x80, s25, s19, $0x2000b8;
	[tilespmem:$0x1D000] =	vst v63  }
0x82: {  	_ =	swait.ge [sflag:s23], $0x4000  }
0x83: {  	[sflag:s23] =	ssyncset.done $0x0  }
0x84: {  	[sflag:s23] =	ssyncadd.s32 $0xFFFFC000  }
0x85: {  	[spmem:s3] =	stream.indirect.scatter.add.f32 [tilespmem:s20], [sflag:$0x3], $0x80, s26, s19, $0x2000b8;
	[tilespmem:$0x1D000] =	vst v63  }
0x86: {  	_ =	swait.ge [sflag:s17], $0x4000  }
0x87: {  	[sflag:s17] =	ssyncset.done $0x0  }
0x88: {  	[sflag:s17] =	ssyncadd.s32 $0xFFFFC000  }
0x89: {  	[tilespmem:s20], [sflag:$0x2] =	stream.indirect.gather [hbm4b:s1+s19], $0x80, s28, s19, $0x2000b8;
	[tilespmem:$0x1D000] =	vst v63  }
0x8a: {  	_ =	swait.ge [sflag:s21], $0x4000  }
0x8b: {  	[sflag:s21] =	ssyncset.done $0x0  }
0x8c: {  	[sflag:s21] =	ssyncadd.s32 $0xFFFFC000  }
0x8d: {  	[spmem:s3] =	stream.indirect.scatter.add.f32 [tilespmem:s16], [sflag:$0x3], $0x80, s29, s19, $0x2000b8;
	[tilespmem:$0x1D000] =	vst v63  }
0x8e: {  	_ =	swait.ge [sflag:s17], $0x4000  }
0x8f: {  	[sflag:s17] =	ssyncset.done $0x0  }
0x90: {  	[sflag:s17] =	ssyncadd.s32 $0xFFFFC000  }
0x91: {  	[tilespmem:s16], [sflag:$0x1] =	stream.indirect.gather [hbm4b:s1+s19], $0x80, s30, s19, $0x2000b8;
	[tilespmem:$0x1D000] =	vst v63  }
0x92: {  	_ =	swait.ge [sflag:s23], $0x4000  }
0x93: {  	[sflag:s23] =	ssyncset.done $0x0  }
0x94: {  	[sflag:s23] =	ssyncadd.s32 $0xFFFFC000  }
0x95: {  	[spmem:s3] =	stream.indirect.scatter.add.f32 [tilespmem:s20], [sflag:$0x3], $0x80, s31, s19, $0x2000b8;
	[tilespmem:$0x1D000] =	vst v63  }
0x96: {  	_ =	swait.ge [sflag:s17], $0x4000  }
0x97: {  	[sflag:s17] =	ssyncset.done $0x0  }
0x98: {  	[sflag:s17] =	ssyncadd.s32 $0xFFFFC000  }
0x99: {  	[tilespmem:s20], [sflag:$0x2] =	stream.indirect.gather [hbm4b:s1+s19], $0x80, s7, s19, $0x2000b8;
	[tilespmem:$0x1D000] =	vst v63  }
0x9a: {  	_ =	swait.ge [sflag:s21], $0x4000  }
0x9b: {  	[sflag:s21] =	ssyncset.done $0x0  }
0x9c: {  	[sflag:s21] =	ssyncadd.s32 $0xFFFFC000  }
0x9d: {  	[spmem:s3] =	stream.indirect.scatter.add.f32 [tilespmem:s16], [sflag:$0x3], $0x80, s8, s19, $0x2000b8;
	[tilespmem:$0x1D000] =	vst v63  }
0x9e: {  	_ =	swait.ge [sflag:s17], $0x4000  }
0x9f: {  	[sflag:s17] =	ssyncset.done $0x0  }
0xa0: {  	[sflag:s17] =	ssyncadd.s32 $0xFFFFC000  }
0xa1: {  	[tilespmem:s16], [sflag:$0x1] =	stream.indirect.gather [hbm4b:s1+s19], $0x80, s9, s19, $0x2000b8;
	[tilespmem:$0x1D000] =	vst v63  }
0xa2: {  	_ =	swait.ge [sflag:s23], $0x4000  }
0xa3: {  	[sflag:s23] =	ssyncset.done $0x0  }
0xa4: {  	[sflag:s23] =	ssyncadd.s32 $0xFFFFC000  }
0xa5: {  	[spmem:s3] =	stream.indirect.scatter.add.f32 [tilespmem:s20], [sflag:$0x3], $0x80, s10, s19, $0x2000b8;
	[tilespmem:$0x1D000] =	vst v63  }
0xa6: {  	_ =	swait.ge [sflag:s17], $0x4000  }
0xa7: {  	[sflag:s17] =	ssyncset.done $0x0  }
0xa8: {  	[sflag:s17] =	ssyncadd.s32 $0xFFFFC000  }
0xa9: {  	[tilespmem:s20], [sflag:$0x2] =	stream.indirect.gather [hbm4b:s1+s19], $0x80, s11, s19, $0x2000b8;
	[tilespmem:$0x1D000] =	vst v63  }
0xaa: {  	_ =	swait.ge [sflag:s21], $0x4000  }
0xab: {  	[sflag:s21] =	ssyncset.done $0x0  }
0xac: {  	[sflag:s21] =	ssyncadd.s32 $0xFFFFC000  }
0xad: {  	[spmem:s3] =	stream.indirect.scatter.add.f32 [tilespmem:s16], [sflag:$0x3], $0x80, s12, s19, $0x2000b8;
	[tilespmem:$0x1D000] =	vst v63  }
0xae: {  	_ =	swait.ge [sflag:s17], $0x4000  }
0xaf: {  	[sflag:s17] =	ssyncset.done $0x0  }
0xb0: {  	[sflag:s17] =	ssyncadd.s32 $0xFFFFC000  }
0xb1: {  	[tilespmem:s16], [sflag:$0x1] =	stream.indirect.gather [hbm4b:s1+s19], $0x80, s13, s19, $0x2000b8;
	[tilespmem:$0x1D000] =	vst v63  }
0xb2: {  	_ =	swait.ge [sflag:s23], $0x4000  }
0xb3: {  	[sflag:s23] =	ssyncset.done $0x0  }
0xb4: {  	[sflag:s23] =	ssyncadd.s32 $0xFFFFC000  }
0xb5: {  	[spmem:s3] =	stream.indirect.scatter.add.f32 [tilespmem:s20], [sflag:$0x3], $0x80, s14, s19, $0x2000b8;
	[tilespmem:$0x1D000] =	vst v63  }
0xb6: {  	_ =	swait.ge [sflag:s17], $0x4000  }
0xb7: {  	[sflag:s17] =	ssyncset.done $0x0  }
0xb8: {  	[sflag:s17] =	ssyncadd.s32 $0xFFFFC000  }
0xb9: {  	[tilespmem:s20], [sflag:$0x2] =	stream.indirect.gather [hbm4b:s1+s19], $0x80, s18, s19, $0x2000b8;
	[tilespmem:$0x1D000] =	vst v63  }
0xba: {  	_ =	swait.ge [sflag:s21], $0x4000  }
0xbb: {  	[sflag:s21] =	ssyncset.done $0x0  }
0xbc: {  	[sflag:s21] =	ssyncadd.s32 $0xFFFFC000  }
0xbd: {  	[spmem:s3] =	stream.indirect.scatter.add.f32 [tilespmem:s16], [sflag:$0x3], $0x80, s5, s19, $0x2000b8;
	[tilespmem:$0x1D000] =	vst v63  }
0xbe: {  	_ =	swait.ge [sflag:s17], $0x4000  }
0xbf: {  	[sflag:s17] =	ssyncset.done $0x0  }
0xc0: {  	[sflag:s17] =	ssyncadd.s32 $0xFFFFC000  }
0xc1: {  	p2 =	slt.u32 @!p0 s6, $0x4;
	_ =	swait.ge [sflag:s23], $0x4000  }
0xc2: {  	p2 =	por p0, !p2;
	[sflag:s23] =	ssyncset.done $0x0  }
.Ltmp1:
0xc3: {  	[sflag:s23] =	ssyncadd.s32 $0xFFFFC000;
	(pc) =	sbr.rel @!p2 .LBB2_4-.Ltmp1, $4  }
0xc4: {  	[spmem:s3] =	stream.indirect.scatter.add.f32 [tilespmem:s20], [sflag:$0x3], $0x80, s22, s19, $0x2000b8;
	[tilespmem:$0x1D000] =	vst v63  }
0xc5: {  	_ =	swait.ge [sflag:s17], $0x4000  }
0xc6: {  	s6 =	sadd.s32 $0x1, s6;
	[sflag:s17] =	ssyncset.done $0x0  }
0xc7: {  	s0 =	sadd.s32 $0x100, s0;
	s2 =	sadd.s32 $0x100, s2;
	[sflag:s17] =	ssyncadd.s32 $0xFFFFC000  }
0xc8: {  	s0 =	simm.s32 @!p1 $0x0;
	s2 =	rddreg [dreg:$0xa]  }
0xc9: {  	[tilespmem:s0], [sflag:$0x3] =	stream.linear.gather @!p1 [hbm4b:s2+s0], $0x200, $0x200038;
	[tilespmem:$0x1D000] =	vst v63  }
0xca: {  	s2 =	simm.s32 @!p1 $0x3  }
0xcb: {  	_ =	swait.ge @!p1 [sflag:s2], $0x200  }
0xcc: {  	[sflag:s2] =	ssyncset.done @!p1 $0x0  }
0xcd: {  	s7 =	simm.s32 @!p1 $0x800;
	s6 =	rddreg [dreg:$0xb];
	[sflag:s2] =	ssyncadd.s32 @!p1 $0xFFFFFE00  }
0xce: {  	[tilespmem:s7], [sflag:$0x3] =	stream.linear.gather @!p1 [hbm4b:s6+s0], $0x200, $0x200038;
	[tilespmem:$0x1D000] =	vst v63  }
0xcf: {  	_ =	swait.ge @!p1 [sflag:s2], $0x200  }
0xd0: {  	[sflag:s2] =	ssyncset.done @!p1 $0x0  }
0xd1: {  	s5 =	simm.s32 @!p1 $0x80;
	s9 =	simm.s32 @!p1 $0x1000;
	[sflag:s2] =	ssyncadd.s32 @!p1 $0xFFFFFE00  }
0xd2: {  	[tilespmem:s9], [sflag:$0x1] =	stream.indirect.gather @!p1 [hbm4b:s1+s5], $0x80, s0, s5, $0x2000b8;
	[tilespmem:$0x1D000] =	vst v63  }
0xd3: {  	s8 =	simm.s32 @!p1 $0x5000;
	s0 =	simm.s32 @!p1 $0x1  }
0xd4: {  	[tilespmem:s8], [sflag:$0x2] =	stream.indirect.gather @!p1 [hbm4b:s1+s5], $0x80, s5, s5, $0x2000b8;
	[tilespmem:$0x1D000] =	vst v63  }
0xd5: {  	_ =	swait.ge @!p1 [sflag:s0], $0x4000  }
0xd6: {  	[sflag:s0] =	ssyncset.done @!p1 $0x0  }
0xd7: {  	[sflag:s0] =	ssyncadd.s32 @!p1 $0xFFFFC000  }
0xd8: {  	[spmem:s3] =	stream.indirect.scatter.add.f32 @!p1 [tilespmem:s9], [sflag:$0x3], $0x80, s7, s5, $0x2000b8;
	[tilespmem:$0x1D000] =	vst v63  }
0xd9: {  	_ =	swait.ge @!p1 [sflag:s2], $0x4000  }
0xda: {  	[sflag:s2] =	ssyncset.done @!p1 $0x0  }
0xdb: {  	s6 =	simm.s32 @!p1 $0x100;
	[sflag:s2] =	ssyncadd.s32 @!p1 $0xFFFFC000  }
0xdc: {  	[tilespmem:s9], [sflag:$0x1] =	stream.indirect.gather @!p1 [hbm4b:s1+s5], $0x80, s6, s5, $0x2000b8;
	[tilespmem:$0x1D000] =	vst v63  }
0xdd: {  	s6 =	simm.s32 @!p1 $0x2  }
0xde: {  	_ =	swait.ge @!p1 [sflag:s6], $0x4000  }
0xdf: {  	[sflag:s6] =	ssyncset.done @!p1 $0x0  }
0xe0: {  	s7 =	simm.s32 @!p1 $0x880;
	[sflag:s6] =	ssyncadd.s32 @!p1 $0xFFFFC000  }
0xe1: {  	[spmem:s3] =	stream.indirect.scatter.add.f32 @!p1 [tilespmem:s8], [sflag:$0x3], $0x80, s7, s5, $0x2000b8;
	[tilespmem:$0x1D000] =	vst v63  }
0xe2: {  	_ =	swait.ge @!p1 [sflag:s2], $0x4000  }
0xe3: {  	[sflag:s2] =	ssyncset.done @!p1 $0x0  }
0xe4: {  	s7 =	simm.s32 @!p1 $0x180;
	[sflag:s2] =	ssyncadd.s32 @!p1 $0xFFFFC000  }
0xe5: {  	[tilespmem:s8], [sflag:$0x2] =	stream.indirect.gather @!p1 [hbm4b:s1+s5], $0x80, s7, s5, $0x2000b8;
	[tilespmem:$0x1D000] =	vst v63  }
0xe6: {  	_ =	swait.ge @!p1 [sflag:s0], $0x4000  }
0xe7: {  	[sflag:s0] =	ssyncset.done @!p1 $0x0  }
0xe8: {  	[sflag:s0] =	ssyncadd.s32 @!p1 $0xFFFFC000;
	s0 =	simm.s32 @!p1 $0x900  }
0xe9: {  	[spmem:s3] =	stream.indirect.scatter.add.f32 @!p1 [tilespmem:s9], [sflag:$0x3], $0x80, s0, s5, $0x2000b8;
	[tilespmem:$0x1D000] =	vst v63  }
0xea: {  	_ =	swait.ge @!p1 [sflag:s2], $0x4000  }
0xeb: {  	[sflag:s2] =	ssyncset.done @!p1 $0x0  }
0xec: {  	[sflag:s2] =	ssyncadd.s32 @!p1 $0xFFFFC000  }
0xed: {  	_ =	swait.ge @!p1 [sflag:s6], $0x4000  }
0xee: {  	[sflag:s6] =	ssyncset.done @!p1 $0x0  }
0xef: {  	s0 =	simm.s32 @!p1 $0x980;
	[sflag:s6] =	ssyncadd.s32 @!p1 $0xFFFFC000  }
0xf0: {  	[spmem:s3] =	stream.indirect.scatter.add.f32 @!p1 [tilespmem:s8], [sflag:$0x3], $0x80, s0, s5, $0x2000b8;
	[tilespmem:$0x1D000] =	vst v63  }
0xf1: {  	_ =	swait.ge @!p1 [sflag:s2], $0x4000  }
0xf2: {  	[sflag:s2] =	ssyncset.done @!p1 $0x0  }
0xf3: {  	[sflag:s2] =	ssyncadd.s32 @!p1 $0xFFFFC000  }
0xf4: {  	[bflag:$0x0] =	sbarrier.arrive $0xFFFF  }
0xf5: {  	_ =	strace $0x90000049  }
0xf6: {  	s6 =	stileid.u32;
	_ =	strace $0x8000004A  }
0xf7: {  	s0 =	sshll.u32 s6, $0x6;
	s7 =	rddreg [dreg:$0x5]  }
0xf8: {  	s0 =	sor.u32 $0x1C03, s0;
	s8 =	rddreg [dreg:$0xc];
	s2 =	sshrl.u32 s7, $0x3  }
0xf9: {  	[hbm:s8], [sflag:s0] =	dma.local [spmem:s2], $0x2800  }
0xfa: {  	_ =	swait.ge [sflag:s17], $0x2800  }
0xfb: {  	s9 =	rddreg [dreg:$0x10]  }
0xfc: {  	s24 =	rddreg [dreg:$0xd];
	s2 =	sadd.s32 $0x1, s9  }
0xfd: {  	p2 =	sne.s32 s2, s24  }
.Ltmp2:
0xfe: {  	_ = 	snop;
	(pc) =	sbr.rel @p2 .LBB2_1-.Ltmp2, $4  }
0xff: {  	_ = 	snop  }
0x100: {  	[sflag:s17] =	ssyncset.done $0x0  }
0x101: {  	[sflag:s17] =	ssyncadd.s32 $0xFFFFD800  }
0x102: {  	_ =	strace $0x9000004A  }
0x103: {  	_ =	sfence.sel $0x180000  }
0x104: {  	[bflag:$0x0] =	sbarrier.arrive $0xFFFF  }
0x105: {  	_ =	strace $0x90000047  }
0x106: {  	s0 =	stileid.u32;
	[bflag:$0x2] =	sbarrier.arrive $0xFFFF  }
0x107: {  	p0 =	sne.s32 s0, $0x0;
	s0 =	rddreg [dreg:$0x4]  }
0x108: {  	s0 =	sadd.s32 @!p0 $0x100000, s0  }
0x109: {  	[sflag:s0] =	ssyncadd.tile.s32 @!p0 $0x1;
	_ =	shalt  }
.Lfunc_end2:
_tile_overlayer_lowered:
.L_overlay_start_2:
0x10a: {  	(tag) =	ssettag $0x2  }
0x10b: {  	s0 =	rddreg [dreg:$0x0];
	s2 =	stileid.u32  }
0x10c: {  	s1 =	rddreg [dreg:$0x1];
	p0 =	sne.s32 s2, $0x0  }
0x10d: {  	s3 =	rddreg [dreg:$0x2];
	[bflag:$0x3] =	sbarrier.arrive $0xFFFF;
	s2 =	simm.s32 @!p0 $0x1C03  }
0x10e: {  	[timem:s3], [sflag:s2] =	dma.local @!p0 [hbm:s0], s1  }
0x10f: {  	s0 =	simm.s32 @!p0 $0x3  }
0x110: {  	_ =	swait.ge @!p0 [sflag:s0], s1  }
0x111: {  	s1 =	ssub.s32 @!p0 $0x0, s1;
	[sflag:s0] =	ssyncset.done @!p0 $0x0  }
0x112: {  	[sflag:s0] =	ssyncadd.s32 @!p0 s1  }
0x113: {  	[bflag:$0x3] =	sbarrier.arrive $0xFFFF  }
0x114: {  	_ =	shalt  }

</sc_bundles>
